<compile_context>
chip_gen: v7x
topology: tpu7x:2x2x1
jax: 0.10.2.dev20260603
libtpu: 0.0.44.dev20260713+nightly
codegen_flags: <defaults>
</compile_context>

<pallas_src>
import functools

import jax
import jax.numpy as jnp
from jax import lax
from jax.experimental import pallas as pl
from jax.experimental.pallas import tpu as pltpu
from jax.experimental.pallas import tpu_sc as plsc

NUM_EMB = 1000
D = 64
BATCH = 16384
HIST = 200
N = BATCH * HIST

NC = 2
NS = 16
NW = NC * NS
PER_W = N // NW
SUB = 128
CHUNK = 256
K = CHUNK // SUB
NCH = PER_W // CHUNK
NBUF = 4
GRP = NCH // NBUF


def _table_body(interp_ref, emb_ref, out_ref):
    out_ref[...] = jnp.dot(interp_ref[...], emb_ref[...],
                           preferred_element_type=jnp.float32)


def _build_table(interp, emb):
    return pl.pallas_call(
        _table_body,
        out_shape=jax.ShapeDtypeStruct((NUM_EMB, D), jnp.float32),
    )(interp, emb)


_mesh = plsc.VectorSubcoreMesh(core_axis_name="c", subcore_axis_name="s")


@functools.partial(
    pl.kernel,
    mesh=_mesh,
    compiler_params=pltpu.CompilerParams(use_tc_tiling_on_sc=False),
    out_type=jax.ShapeDtypeStruct((N, D), jnp.float32),
    scratch_types=(
        [pltpu.VMEM((NBUF, K, SUB), jnp.int32),
         pltpu.VMEM((NBUF * CHUNK, D), jnp.float32),
         pltpu.MemorySpace.VMEM_SHARED((NUM_EMB, D), jnp.float32)]
        + [pltpu.SemaphoreType.DMA] * (2 * NBUF)
    ),
)
def _sc_gather(table_hbm, idx_hbm, out_hbm, idx_v, rows_v, table_sp, *sems):
    gsem = sems[:NBUF]
    osem = sems[NBUF:]
    wid = lax.axis_index("s") * NC + lax.axis_index("c")

    @pl.when(lax.axis_index("s") == 0)
    def _():
        pltpu.sync_copy(table_hbm, table_sp)

    plsc.subcore_barrier()
    idx_row0 = pl.multiple_of(wid * (PER_W // SUB), 8)
    row0 = pl.multiple_of(wid * PER_W, 8)

    def fire_gather(g, b):
        pltpu.sync_copy(idx_hbm.at[pl.ds(idx_row0 + g * K, K)], idx_v.at[b])
        for k in range(K):
            pltpu.async_copy(table_sp.at[idx_v.at[b, k]],
                             rows_v.at[pl.ds(b * CHUNK + k * SUB, SUB)],
                             gsem[b])

    def drain_gather(g, b):
        for k in range(K):
            pltpu.make_async_copy(table_sp.at[idx_v.at[b, k]],
                                  rows_v.at[pl.ds(b * CHUNK + k * SUB, SUB)],
                                  gsem[b]).wait()

    def fire_out(g, b):
        pltpu.async_copy(rows_v.at[pl.ds(b * CHUNK, CHUNK)],
                         out_hbm.at[pl.ds(row0 + g * CHUNK, CHUNK)],
                         osem[b])

    def wait_out(g, b):
        pltpu.make_async_copy(rows_v.at[pl.ds(b * CHUNK, CHUNK)],
                              out_hbm.at[pl.ds(row0 + g * CHUNK, CHUNK)],
                              osem[b]).wait()

    fire_gather(0, 0)
    fire_gather(1, 1)

    for b in range(NBUF):
        g = b
        drain_gather(g, b)
        fire_out(g, b)
        if b >= 2:
            wait_out(g - 2, (b + 2) % NBUF)
        fire_gather(g + 2, (b + 2) % NBUF)

    def body(gg, carry):
        for b in range(NBUF):
            g = gg * NBUF + b
            drain_gather(g, b)
            fire_out(g, b)
            wait_out(g - 2, (b + 2) % NBUF)
            fire_gather(g + 2, (b + 2) % NBUF)
        return carry

    lax.fori_loop(1, GRP - 1, body, 0)

    for b in range(NBUF):
        g = NCH - NBUF + b
        drain_gather(g, b)
        fire_out(g, b)
        wait_out(g - 2, (b + 2) % NBUF)
        if b < 2:
            fire_gather(g + 2, (b + 2) % NBUF)

    wait_out(NCH - 2, (NCH - 2) % NBUF)
    wait_out(NCH - 1, (NCH - 1) % NBUF)


def kernel(index_tensor, embedding_matrix, interpolation_matrix):
    table = _build_table(interpolation_matrix, embedding_matrix)
    idx = index_tensor.reshape(N // SUB, SUB).astype(jnp.int32)
    out = _sc_gather(table, idx)
    return out.reshape(BATCH, HIST, D)

# --- scband reference (transcript-rebuilt; emitter-appended) ---
"""Pipeline reference for scband-interpolation-embedding-46935402611134 (READ-ONLY COPY).

The authoritative reference and input builder live on the scoring server;
editing this copy changes nothing except your own understanding.
"""

import jax, jax.numpy as jnp
import numpy as np

NUM_EMBEDDINGS = 1000
EMBED_DIM = 64
BATCH = 16384
HIST = 200


def _make_interpolation_matrix(num_embeddings):
    num_arange = jnp.arange(num_embeddings, dtype=jnp.float32).reshape(-1, 1)
    max_rating = float(num_embeddings - 1)
    alpha = (max_rating - num_arange) / max_rating
    return jnp.concatenate([alpha, 1.0 - alpha], axis=-1)


def setup_inputs(seed: int = 0) -> dict:
    key = jax.random.key(seed)
    k1, k2 = jax.random.split(key)
    # xavier normal for a (2, embedding_dim) parameter: std = sqrt(2 / (fan_in + fan_out))
    std = float(np.sqrt(2.0 / (2 + EMBED_DIM)))
    embedding_matrix = jax.random.normal(k1, (2, EMBED_DIM), dtype=jnp.float32) * std
    interpolation_matrix = _make_interpolation_matrix(NUM_EMBEDDINGS)
    index_tensor = jax.random.randint(k2, (BATCH, HIST), 0, NUM_EMBEDDINGS, dtype=jnp.int64 if jax.config.jax_enable_x64 else jnp.int32)
    return {
        "index_tensor": index_tensor,
        "embedding_matrix": embedding_matrix,
        "interpolation_matrix": interpolation_matrix,
    }


def reference(index_tensor, embedding_matrix, interpolation_matrix):
    # table = interpolation_matrix @ embedding_matrix : [num_embeddings, embed_dim]
    table = interpolation_matrix @ embedding_matrix
    # F.embedding -> row gather
    result = jnp.take(table, index_tensor, axis=0)
    return result


if False:  # reference __main__ guard neutralized (emitter)
    inp = setup_inputs()
    out = reference(**inp)
    print(out.shape, out.dtype)

if __name__ == "__main__":
    import jax
    _d = setup_inputs()
    print(jax.jit(kernel)(*tuple(_d.values())))

</pallas_src>

<mosaic_0001>
#map = affine_map<(d0, d1) -> (0, 0)>
module attributes {stable_mosaic.version = 14 : i64} {
  func.func @_sc_gather(%arg0: i32, %arg1: i32, %arg2: memref<1000x64xf32, #tpu.memory_space<hbm>>, %arg3: memref<25600x128xi32, #tpu.memory_space<hbm>>, %arg4: memref<3276800x64xf32, #tpu.memory_space<hbm>>, %arg5: memref<4x2x128xi32, #tpu.memory_space<vmem>>, %arg6: memref<1024x64xf32, #tpu.memory_space<vmem>>, %arg7: memref<1000x64xf32, #tpu.memory_space<vmem_shared>>, %arg8: memref<!tpu.dma_semaphore, #tpu.memory_space<semaphore_mem>>, %arg9: memref<!tpu.dma_semaphore, #tpu.memory_space<semaphore_mem>>, %arg10: memref<!tpu.dma_semaphore, #tpu.memory_space<semaphore_mem>>, %arg11: memref<!tpu.dma_semaphore, #tpu.memory_space<semaphore_mem>>, %arg12: memref<!tpu.dma_semaphore, #tpu.memory_space<semaphore_mem>>, %arg13: memref<!tpu.dma_semaphore, #tpu.memory_space<semaphore_mem>>, %arg14: memref<!tpu.dma_semaphore, #tpu.memory_space<semaphore_mem>>, %arg15: memref<!tpu.dma_semaphore, #tpu.memory_space<semaphore_mem>>) attributes {dimension_semantics = [#tpu.dimension_semantics<core_parallel>, #tpu.dimension_semantics<subcore_parallel>], iteration_bounds = array<i64: 2, 16>, scalar_prefetch = 0 : i64, scratch_operands = 11 : i64, tpu.core_type = #tpu.core_type<sc_vector_subcore>, window_params = [{transform_indices = #map}, {transform_indices = #map}, {transform_indices = #map}]} {
    %mul3A = arith.constant 2 : i32
    %mul3A_0 = arith.muli %arg1, %mul3A : i32
    %add3A = arith.addi %mul3A_0, %arg0 : i32
    %eq3A = arith.constant 0 : i32
    %eq3A_1 = arith.cmpi eq, %arg1, %eq3A : i32
    %convert_element_type3A = arith.extui %eq3A_1 : i1 to i32
    %cond3A = arith.constant 0 : i32
    %cond3A_2 = arith.cmpi ne, %convert_element_type3A, %cond3A : i32
    scf.if %cond3A_2 {
      "tpu.region"() ({
        %run_scoped3A_578 = tpu.sem_alloc : memref<!tpu.dma_semaphore, #tpu.memory_space<semaphore_mem>>
        tpu.enqueue_dma source(%arg2 : memref<1000x64xf32, #tpu.memory_space<hbm>>) target(%arg7 : memref<1000x64xf32, #tpu.memory_space<vmem_shared>>) target_semaphore(%run_scoped3A_578 : memref<!tpu.dma_semaphore, #tpu.memory_space<semaphore_mem>>)
        tpu.wait_dma2 semaphore(%run_scoped3A_578 : memref<!tpu.dma_semaphore, #tpu.memory_space<semaphore_mem>>) src(%arg2 : memref<1000x64xf32, #tpu.memory_space<hbm>>) dst(%arg7 : memref<1000x64xf32, #tpu.memory_space<vmem_shared>>)
        tpu.yield
      }) : () -> ()
    } else {
    }
    %barrier3A = arith.constant 0 : index
    tpu.barrier barrier_id(%barrier3A)
    %mul3A_3 = arith.constant 800 : i32
    %mul3A_4 = arith.muli %add3A, %mul3A_3 : i32
    %multiple_of3A = tpu.assume_multiple %mul3A_4, 8 : i32
    %mul3A_5 = arith.constant 102400 : i32
    %mul3A_6 = arith.muli %add3A, %mul3A_5 : i32
    %multiple_of3A_7 = tpu.assume_multiple %mul3A_6, 8 : i32
    %add3A_8 = arith.constant 0 : i32
    %add3A_9 = arith.addi %multiple_of3A, %add3A_8 : i32
    %run_scoped3A = arith.constant 0 : i32
    "tpu.region"() ({
      %run_scoped3A_578 = tpu.sem_alloc : memref<!tpu.dma_semaphore, #tpu.memory_space<semaphore_mem>>
      %dma_start3A_579 = arith.constant 0 : i32
      %dma_start3A_580 = arith.constant 0 : i32
      %dma_start3A_581 = tpu.memref_slice %arg5[%run_scoped3A, %dma_start3A_579, %dma_start3A_580] : memref<4x2x128xi32, #tpu.memory_space<vmem>> -> memref<1x2x128xi32, #tpu.memory_space<vmem>>
      %dma_start3A_582 = tpu.memref_squeeze %dma_start3A_581 : memref<1x2x128xi32, #tpu.memory_space<vmem>> -> memref<2x128xi32, #tpu.memory_space<vmem>>
      %dma_start3A_583 = arith.constant 0 : i32
      %dma_start3A_584 = tpu.memref_slice %arg3[%add3A_9, %dma_start3A_583] : memref<25600x128xi32, #tpu.memory_space<hbm>> -> memref<2x128xi32, #tpu.memory_space<hbm>>
      %dma_start3A_585 = arith.constant 0 : i32
      %dma_start3A_586 = arith.constant 0 : i32
      %dma_start3A_587 = tpu.memref_slice %arg5[%run_scoped3A, %dma_start3A_585, %dma_start3A_586] : memref<4x2x128xi32, #tpu.memory_space<vmem>> -> memref<1x2x128xi32, #tpu.memory_space<vmem>>
      %dma_start3A_588 = tpu.memref_squeeze %dma_start3A_587 : memref<1x2x128xi32, #tpu.memory_space<vmem>> -> memref<2x128xi32, #tpu.memory_space<vmem>>
      %dma_start3A_589 = arith.constant 0 : i32
      %dma_start3A_590 = tpu.memref_slice %arg3[%add3A_9, %dma_start3A_589] : memref<25600x128xi32, #tpu.memory_space<hbm>> -> memref<2x128xi32, #tpu.memory_space<hbm>>
      tpu.enqueue_dma source(%dma_start3A_590 : memref<2x128xi32, #tpu.memory_space<hbm>>) target(%dma_start3A_588 : memref<2x128xi32, #tpu.memory_space<vmem>>) target_semaphore(%run_scoped3A_578 : memref<!tpu.dma_semaphore, #tpu.memory_space<semaphore_mem>>)
      %dma_wait3A_591 = arith.constant 0 : i32
      %dma_wait3A_592 = arith.constant 0 : i32
      %dma_wait3A_593 = tpu.memref_slice %arg5[%run_scoped3A, %dma_wait3A_591, %dma_wait3A_592] : memref<4x2x128xi32, #tpu.memory_space<vmem>> -> memref<1x2x128xi32, #tpu.memory_space<vmem>>
      %dma_wait3A_594 = tpu.memref_squeeze %dma_wait3A_593 : memref<1x2x128xi32, #tpu.memory_space<vmem>> -> memref<2x128xi32, #tpu.memory_space<vmem>>
      %dma_wait3A_595 = arith.constant 0 : i32
      %dma_wait3A_596 = tpu.memref_slice %arg3[%add3A_9, %dma_wait3A_595] : memref<25600x128xi32, #tpu.memory_space<hbm>> -> memref<2x128xi32, #tpu.memory_space<hbm>>
      %dma_wait3A_597 = arith.constant 0 : i32
      %dma_wait3A_598 = arith.constant 0 : i32
      %dma_wait3A_599 = tpu.memref_slice %arg5[%run_scoped3A, %dma_wait3A_597, %dma_wait3A_598] : memref<4x2x128xi32, #tpu.memory_space<vmem>> -> memref<1x2x128xi32, #tpu.memory_space<vmem>>
      %dma_wait3A_600 = tpu.memref_squeeze %dma_wait3A_599 : memref<1x2x128xi32, #tpu.memory_space<vmem>> -> memref<2x128xi32, #tpu.memory_space<vmem>>
      %dma_wait3A_601 = arith.constant 0 : i32
      %dma_wait3A_602 = tpu.memref_slice %arg3[%add3A_9, %dma_wait3A_601] : memref<25600x128xi32, #tpu.memory_space<hbm>> -> memref<2x128xi32, #tpu.memory_space<hbm>>
      tpu.wait_dma2 semaphore(%run_scoped3A_578 : memref<!tpu.dma_semaphore, #tpu.memory_space<semaphore_mem>>) src(%dma_wait3A_602 : memref<2x128xi32, #tpu.memory_space<hbm>>) dst(%dma_wait3A_600 : memref<2x128xi32, #tpu.memory_space<vmem>>)
      tpu.yield
    }) : () -> ()
    %dma_start3A = arith.constant 0 : i32
    %dma_start3A_10 = arith.constant 0 : i32
    %dma_start3A_11 = arith.constant 0 : i32
    %dma_start3A_12 = arith.constant 0 : i32
    %dma_start3A_13 = tpu.memref_slice %arg6[%dma_start3A_11, %dma_start3A_12] : memref<1024x64xf32, #tpu.memory_space<vmem>> -> memref<128x64xf32, #tpu.memory_space<vmem>>
    %dma_start3A_14 = arith.constant 0 : i32
    %dma_start3A_15 = tpu.memref_slice %arg5[%dma_start3A, %dma_start3A_10, %dma_start3A_14] : memref<4x2x128xi32, #tpu.memory_space<vmem>> -> memref<1x1x128xi32, #tpu.memory_space<vmem>>
    %dma_start3A_16 = tpu.memref_squeeze %dma_start3A_15 : memref<1x1x128xi32, #tpu.memory_space<vmem>> -> memref<128xi32, #tpu.memory_space<vmem>>
    %dma_start3A_17 = arith.constant 0 : i32
    %dma_start3A_18 = arith.constant 0 : i32
    %dma_start3A_19 = tpu.memref_slice %arg7[%dma_start3A_17, %dma_start3A_18] : memref<1000x64xf32, #tpu.memory_space<vmem_shared>> -> memref<1000x64xf32, #tpu.memory_space<vmem_shared>>
    tpu.enqueue_indirect_dma source(%dma_start3A_19 : memref<1000x64xf32, #tpu.memory_space<vmem_shared>>) target(%dma_start3A_13 : memref<128x64xf32, #tpu.memory_space<vmem>>) offsets(%dma_start3A_16 : memref<128xi32, #tpu.memory_space<vmem>>) semaphore(%arg8 : memref<!tpu.dma_semaphore, #tpu.memory_space<semaphore_mem>>)
    %dma_start3A_20 = arith.constant 0 : i32
    %dma_start3A_21 = arith.constant 1 : i32
    %dma_start3A_22 = arith.constant 128 : i32
    %dma_start3A_23 = arith.constant 0 : i32
    %dma_start3A_24 = tpu.memref_slice %arg6[%dma_start3A_22, %dma_start3A_23] : memref<1024x64xf32, #tpu.memory_space<vmem>> -> memref<128x64xf32, #tpu.memory_space<vmem>>
    %dma_start3A_25 = arith.constant 0 : i32
    %dma_start3A_26 = tpu.memref_slice %arg5[%dma_start3A_20, %dma_start3A_21, %dma_start3A_25] : memref<4x2x128xi32, #tpu.memory_space<vmem>> -> memref<1x1x128xi32, #tpu.memory_space<vmem>>
    %dma_start3A_27 = tpu.memref_squeeze %dma_start3A_26 : memref<1x1x128xi32, #tpu.memory_space<vmem>> -> memref<128xi32, #tpu.memory_space<vmem>>
    %dma_start3A_28 = arith.constant 0 : i32
    %dma_start3A_29 = arith.constant 0 : i32
    %dma_start3A_30 = tpu.memref_slice %arg7[%dma_start3A_28, %dma_start3A_29] : memref<1000x64xf32, #tpu.memory_space<vmem_shared>> -> memref<1000x64xf32, #tpu.memory_space<vmem_shared>>
    tpu.enqueue_indirect_dma source(%dma_start3A_30 : memref<1000x64xf32, #tpu.memory_space<vmem_shared>>) target(%dma_start3A_24 : memref<128x64xf32, #tpu.memory_space<vmem>>) offsets(%dma_start3A_27 : memref<128xi32, #tpu.memory_space<vmem>>) semaphore(%arg8 : memref<!tpu.dma_semaphore, #tpu.memory_space<semaphore_mem>>)
    %add3A_31 = arith.constant 2 : i32
    %add3A_32 = arith.addi %multiple_of3A, %add3A_31 : i32
    %run_scoped3A_33 = arith.constant 1 : i32
    "tpu.region"() ({
      %run_scoped3A_578 = tpu.sem_alloc : memref<!tpu.dma_semaphore, #tpu.memory_space<semaphore_mem>>
      %dma_start3A_579 = arith.constant 0 : i32
      %dma_start3A_580 = arith.constant 0 : i32
      %dma_start3A_581 = tpu.memref_slice %arg5[%run_scoped3A_33, %dma_start3A_579, %dma_start3A_580] : memref<4x2x128xi32, #tpu.memory_space<vmem>> -> memref<1x2x128xi32, #tpu.memory_space<vmem>>
      %dma_start3A_582 = tpu.memref_squeeze %dma_start3A_581 : memref<1x2x128xi32, #tpu.memory_space<vmem>> -> memref<2x128xi32, #tpu.memory_space<vmem>>
      %dma_start3A_583 = arith.constant 0 : i32
      %dma_start3A_584 = tpu.memref_slice %arg3[%add3A_32, %dma_start3A_583] : memref<25600x128xi32, #tpu.memory_space<hbm>> -> memref<2x128xi32, #tpu.memory_space<hbm>>
      %dma_start3A_585 = arith.constant 0 : i32
      %dma_start3A_586 = arith.constant 0 : i32
      %dma_start3A_587 = tpu.memref_slice %arg5[%run_scoped3A_33, %dma_start3A_585, %dma_start3A_586] : memref<4x2x128xi32, #tpu.memory_space<vmem>> -> memref<1x2x128xi32, #tpu.memory_space<vmem>>
      %dma_start3A_588 = tpu.memref_squeeze %dma_start3A_587 : memref<1x2x128xi32, #tpu.memory_space<vmem>> -> memref<2x128xi32, #tpu.memory_space<vmem>>
      %dma_start3A_589 = arith.constant 0 : i32
      %dma_start3A_590 = tpu.memref_slice %arg3[%add3A_32, %dma_start3A_589] : memref<25600x128xi32, #tpu.memory_space<hbm>> -> memref<2x128xi32, #tpu.memory_space<hbm>>
      tpu.enqueue_dma source(%dma_start3A_590 : memref<2x128xi32, #tpu.memory_space<hbm>>) target(%dma_start3A_588 : memref<2x128xi32, #tpu.memory_space<vmem>>) target_semaphore(%run_scoped3A_578 : memref<!tpu.dma_semaphore, #tpu.memory_space<semaphore_mem>>)
      %dma_wait3A_591 = arith.constant 0 : i32
      %dma_wait3A_592 = arith.constant 0 : i32
      %dma_wait3A_593 = tpu.memref_slice %arg5[%run_scoped3A_33, %dma_wait3A_591, %dma_wait3A_592] : memref<4x2x128xi32, #tpu.memory_space<vmem>> -> memref<1x2x128xi32, #tpu.memory_space<vmem>>
      %dma_wait3A_594 = tpu.memref_squeeze %dma_wait3A_593 : memref<1x2x128xi32, #tpu.memory_space<vmem>> -> memref<2x128xi32, #tpu.memory_space<vmem>>
      %dma_wait3A_595 = arith.constant 0 : i32
      %dma_wait3A_596 = tpu.memref_slice %arg3[%add3A_32, %dma_wait3A_595] : memref<25600x128xi32, #tpu.memory_space<hbm>> -> memref<2x128xi32, #tpu.memory_space<hbm>>
      %dma_wait3A_597 = arith.constant 0 : i32
      %dma_wait3A_598 = arith.constant 0 : i32
      %dma_wait3A_599 = tpu.memref_slice %arg5[%run_scoped3A_33, %dma_wait3A_597, %dma_wait3A_598] : memref<4x2x128xi32, #tpu.memory_space<vmem>> -> memref<1x2x128xi32, #tpu.memory_space<vmem>>
      %dma_wait3A_600 = tpu.memref_squeeze %dma_wait3A_599 : memref<1x2x128xi32, #tpu.memory_space<vmem>> -> memref<2x128xi32, #tpu.memory_space<vmem>>
      %dma_wait3A_601 = arith.constant 0 : i32
      %dma_wait3A_602 = tpu.memref_slice %arg3[%add3A_32, %dma_wait3A_601] : memref<25600x128xi32, #tpu.memory_space<hbm>> -> memref<2x128xi32, #tpu.memory_space<hbm>>
      tpu.wait_dma2 semaphore(%run_scoped3A_578 : memref<!tpu.dma_semaphore, #tpu.memory_space<semaphore_mem>>) src(%dma_wait3A_602 : memref<2x128xi32, #tpu.memory_space<hbm>>) dst(%dma_wait3A_600 : memref<2x128xi32, #tpu.memory_space<vmem>>)
      tpu.yield
    }) : () -> ()
    %dma_start3A_34 = arith.constant 1 : i32
    %dma_start3A_35 = arith.constant 0 : i32
    %dma_start3A_36 = arith.constant 256 : i32
    %dma_start3A_37 = arith.constant 0 : i32
    %dma_start3A_38 = tpu.memref_slice %arg6[%dma_start3A_36, %dma_start3A_37] : memref<1024x64xf32, #tpu.memory_space<vmem>> -> memref<128x64xf32, #tpu.memory_space<vmem>>
    %dma_start3A_39 = arith.constant 0 : i32
    %dma_start3A_40 = tpu.memref_slice %arg5[%dma_start3A_34, %dma_start3A_35, %dma_start3A_39] : memref<4x2x128xi32, #tpu.memory_space<vmem>> -> memref<1x1x128xi32, #tpu.memory_space<vmem>>
    %dma_start3A_41 = tpu.memref_squeeze %dma_start3A_40 : memref<1x1x128xi32, #tpu.memory_space<vmem>> -> memref<128xi32, #tpu.memory_space<vmem>>
    %dma_start3A_42 = arith.constant 0 : i32
    %dma_start3A_43 = arith.constant 0 : i32
    %dma_start3A_44 = tpu.memref_slice %arg7[%dma_start3A_42, %dma_start3A_43] : memref<1000x64xf32, #tpu.memory_space<vmem_shared>> -> memref<1000x64xf32, #tpu.memory_space<vmem_shared>>
    tpu.enqueue_indirect_dma source(%dma_start3A_44 : memref<1000x64xf32, #tpu.memory_space<vmem_shared>>) target(%dma_start3A_38 : memref<128x64xf32, #tpu.memory_space<vmem>>) offsets(%dma_start3A_41 : memref<128xi32, #tpu.memory_space<vmem>>) semaphore(%arg9 : memref<!tpu.dma_semaphore, #tpu.memory_space<semaphore_mem>>)
    %dma_start3A_45 = arith.constant 1 : i32
    %dma_start3A_46 = arith.constant 1 : i32
    %dma_start3A_47 = arith.constant 384 : i32
    %dma_start3A_48 = arith.constant 0 : i32
    %dma_start3A_49 = tpu.memref_slice %arg6[%dma_start3A_47, %dma_start3A_48] : memref<1024x64xf32, #tpu.memory_space<vmem>> -> memref<128x64xf32, #tpu.memory_space<vmem>>
    %dma_start3A_50 = arith.constant 0 : i32
    %dma_start3A_51 = tpu.memref_slice %arg5[%dma_start3A_45, %dma_start3A_46, %dma_start3A_50] : memref<4x2x128xi32, #tpu.memory_space<vmem>> -> memref<1x1x128xi32, #tpu.memory_space<vmem>>
    %dma_start3A_52 = tpu.memref_squeeze %dma_start3A_51 : memref<1x1x128xi32, #tpu.memory_space<vmem>> -> memref<128xi32, #tpu.memory_space<vmem>>
    %dma_start3A_53 = arith.constant 0 : i32
    %dma_start3A_54 = arith.constant 0 : i32
    %dma_start3A_55 = tpu.memref_slice %arg7[%dma_start3A_53, %dma_start3A_54] : memref<1000x64xf32, #tpu.memory_space<vmem_shared>> -> memref<1000x64xf32, #tpu.memory_space<vmem_shared>>
    tpu.enqueue_indirect_dma source(%dma_start3A_55 : memref<1000x64xf32, #tpu.memory_space<vmem_shared>>) target(%dma_start3A_49 : memref<128x64xf32, #tpu.memory_space<vmem>>) offsets(%dma_start3A_52 : memref<128xi32, #tpu.memory_space<vmem>>) semaphore(%arg9 : memref<!tpu.dma_semaphore, #tpu.memory_space<semaphore_mem>>)
    %dma_wait3A = arith.constant 0 : i32
    %dma_wait3A_56 = arith.constant 0 : i32
    %dma_wait3A_57 = arith.constant 0 : i32
    %dma_wait3A_58 = arith.constant 0 : i32
    %dma_wait3A_59 = tpu.memref_slice %arg6[%dma_wait3A_57, %dma_wait3A_58] : memref<1024x64xf32, #tpu.memory_space<vmem>> -> memref<128x64xf32, #tpu.memory_space<vmem>>
    %dma_wait3A_60 = arith.constant 0 : i32
    %dma_wait3A_61 = tpu.memref_slice %arg5[%dma_wait3A, %dma_wait3A_56, %dma_wait3A_60] : memref<4x2x128xi32, #tpu.memory_space<vmem>> -> memref<1x1x128xi32, #tpu.memory_space<vmem>>
    %dma_wait3A_62 = tpu.memref_squeeze %dma_wait3A_61 : memref<1x1x128xi32, #tpu.memory_space<vmem>> -> memref<128xi32, #tpu.memory_space<vmem>>
    %dma_wait3A_63 = arith.constant 0 : i32
    %dma_wait3A_64 = arith.constant 0 : i32
    %dma_wait3A_65 = tpu.memref_slice %arg7[%dma_wait3A_63, %dma_wait3A_64] : memref<1000x64xf32, #tpu.memory_space<vmem_shared>> -> memref<1000x64xf32, #tpu.memory_space<vmem_shared>>
    tpu.wait_indirect_dma semaphore(%arg8 : memref<!tpu.dma_semaphore, #tpu.memory_space<semaphore_mem>>) src(%dma_wait3A_65 : memref<1000x64xf32, #tpu.memory_space<vmem_shared>>) dst(%dma_wait3A_59 : memref<128x64xf32, #tpu.memory_space<vmem>>)
    %dma_wait3A_66 = arith.constant 0 : i32
    %dma_wait3A_67 = arith.constant 1 : i32
    %dma_wait3A_68 = arith.constant 128 : i32
    %dma_wait3A_69 = arith.constant 0 : i32
    %dma_wait3A_70 = tpu.memref_slice %arg6[%dma_wait3A_68, %dma_wait3A_69] : memref<1024x64xf32, #tpu.memory_space<vmem>> -> memref<128x64xf32, #tpu.memory_space<vmem>>
    %dma_wait3A_71 = arith.constant 0 : i32
    %dma_wait3A_72 = tpu.memref_slice %arg5[%dma_wait3A_66, %dma_wait3A_67, %dma_wait3A_71] : memref<4x2x128xi32, #tpu.memory_space<vmem>> -> memref<1x1x128xi32, #tpu.memory_space<vmem>>
    %dma_wait3A_73 = tpu.memref_squeeze %dma_wait3A_72 : memref<1x1x128xi32, #tpu.memory_space<vmem>> -> memref<128xi32, #tpu.memory_space<vmem>>
    %dma_wait3A_74 = arith.constant 0 : i32
    %dma_wait3A_75 = arith.constant 0 : i32
    %dma_wait3A_76 = tpu.memref_slice %arg7[%dma_wait3A_74, %dma_wait3A_75] : memref<1000x64xf32, #tpu.memory_space<vmem_shared>> -> memref<1000x64xf32, #tpu.memory_space<vmem_shared>>
    tpu.wait_indirect_dma semaphore(%arg8 : memref<!tpu.dma_semaphore, #tpu.memory_space<semaphore_mem>>) src(%dma_wait3A_76 : memref<1000x64xf32, #tpu.memory_space<vmem_shared>>) dst(%dma_wait3A_70 : memref<128x64xf32, #tpu.memory_space<vmem>>)
    %add3A_77 = arith.constant 0 : i32
    %add3A_78 = arith.addi %multiple_of3A_7, %add3A_77 : i32
    %dma_start3A_79 = arith.constant 0 : i32
    %dma_start3A_80 = arith.constant 0 : i32
    %dma_start3A_81 = tpu.memref_slice %arg6[%dma_start3A_79, %dma_start3A_80] : memref<1024x64xf32, #tpu.memory_space<vmem>> -> memref<256x64xf32, #tpu.memory_space<vmem>>
    %dma_start3A_82 = arith.constant 0 : i32
    %dma_start3A_83 = tpu.memref_slice %arg4[%add3A_78, %dma_start3A_82] : memref<3276800x64xf32, #tpu.memory_space<hbm>> -> memref<256x64xf32, #tpu.memory_space<hbm>>
    %dma_start3A_84 = arith.constant 0 : i32
    %dma_start3A_85 = tpu.memref_slice %arg4[%add3A_78, %dma_start3A_84] : memref<3276800x64xf32, #tpu.memory_space<hbm>> -> memref<256x64xf32, #tpu.memory_space<hbm>>
    %dma_start3A_86 = arith.constant 0 : i32
    %dma_start3A_87 = arith.constant 0 : i32
    %dma_start3A_88 = tpu.memref_slice %arg6[%dma_start3A_86, %dma_start3A_87] : memref<1024x64xf32, #tpu.memory_space<vmem>> -> memref<256x64xf32, #tpu.memory_space<vmem>>
    tpu.enqueue_dma source(%dma_start3A_88 : memref<256x64xf32, #tpu.memory_space<vmem>>) target(%dma_start3A_85 : memref<256x64xf32, #tpu.memory_space<hbm>>) target_semaphore(%arg12 : memref<!tpu.dma_semaphore, #tpu.memory_space<semaphore_mem>>)
    %add3A_89 = arith.constant 4 : i32
    %add3A_90 = arith.addi %multiple_of3A, %add3A_89 : i32
    %run_scoped3A_91 = arith.constant 2 : i32
    "tpu.region"() ({
      %run_scoped3A_578 = tpu.sem_alloc : memref<!tpu.dma_semaphore, #tpu.memory_space<semaphore_mem>>
      %dma_start3A_579 = arith.constant 0 : i32
      %dma_start3A_580 = arith.constant 0 : i32
      %dma_start3A_581 = tpu.memref_slice %arg5[%run_scoped3A_91, %dma_start3A_579, %dma_start3A_580] : memref<4x2x128xi32, #tpu.memory_space<vmem>> -> memref<1x2x128xi32, #tpu.memory_space<vmem>>
      %dma_start3A_582 = tpu.memref_squeeze %dma_start3A_581 : memref<1x2x128xi32, #tpu.memory_space<vmem>> -> memref<2x128xi32, #tpu.memory_space<vmem>>
      %dma_start3A_583 = arith.constant 0 : i32
      %dma_start3A_584 = tpu.memref_slice %arg3[%add3A_90, %dma_start3A_583] : memref<25600x128xi32, #tpu.memory_space<hbm>> -> memref<2x128xi32, #tpu.memory_space<hbm>>
      %dma_start3A_585 = arith.constant 0 : i32
      %dma_start3A_586 = arith.constant 0 : i32
      %dma_start3A_587 = tpu.memref_slice %arg5[%run_scoped3A_91, %dma_start3A_585, %dma_start3A_586] : memref<4x2x128xi32, #tpu.memory_space<vmem>> -> memref<1x2x128xi32, #tpu.memory_space<vmem>>
      %dma_start3A_588 = tpu.memref_squeeze %dma_start3A_587 : memref<1x2x128xi32, #tpu.memory_space<vmem>> -> memref<2x128xi32, #tpu.memory_space<vmem>>
      %dma_start3A_589 = arith.constant 0 : i32
      %dma_start3A_590 = tpu.memref_slice %arg3[%add3A_90, %dma_start3A_589] : memref<25600x128xi32, #tpu.memory_space<hbm>> -> memref<2x128xi32, #tpu.memory_space<hbm>>
      tpu.enqueue_dma source(%dma_start3A_590 : memref<2x128xi32, #tpu.memory_space<hbm>>) target(%dma_start3A_588 : memref<2x128xi32, #tpu.memory_space<vmem>>) target_semaphore(%run_scoped3A_578 : memref<!tpu.dma_semaphore, #tpu.memory_space<semaphore_mem>>)
      %dma_wait3A_591 = arith.constant 0 : i32
      %dma_wait3A_592 = arith.constant 0 : i32
      %dma_wait3A_593 = tpu.memref_slice %arg5[%run_scoped3A_91, %dma_wait3A_591, %dma_wait3A_592] : memref<4x2x128xi32, #tpu.memory_space<vmem>> -> memref<1x2x128xi32, #tpu.memory_space<vmem>>
      %dma_wait3A_594 = tpu.memref_squeeze %dma_wait3A_593 : memref<1x2x128xi32, #tpu.memory_space<vmem>> -> memref<2x128xi32, #tpu.memory_space<vmem>>
      %dma_wait3A_595 = arith.constant 0 : i32
      %dma_wait3A_596 = tpu.memref_slice %arg3[%add3A_90, %dma_wait3A_595] : memref<25600x128xi32, #tpu.memory_space<hbm>> -> memref<2x128xi32, #tpu.memory_space<hbm>>
      %dma_wait3A_597 = arith.constant 0 : i32
      %dma_wait3A_598 = arith.constant 0 : i32
      %dma_wait3A_599 = tpu.memref_slice %arg5[%run_scoped3A_91, %dma_wait3A_597, %dma_wait3A_598] : memref<4x2x128xi32, #tpu.memory_space<vmem>> -> memref<1x2x128xi32, #tpu.memory_space<vmem>>
      %dma_wait3A_600 = tpu.memref_squeeze %dma_wait3A_599 : memref<1x2x128xi32, #tpu.memory_space<vmem>> -> memref<2x128xi32, #tpu.memory_space<vmem>>
      %dma_wait3A_601 = arith.constant 0 : i32
      %dma_wait3A_602 = tpu.memref_slice %arg3[%add3A_90, %dma_wait3A_601] : memref<25600x128xi32, #tpu.memory_space<hbm>> -> memref<2x128xi32, #tpu.memory_space<hbm>>
      tpu.wait_dma2 semaphore(%run_scoped3A_578 : memref<!tpu.dma_semaphore, #tpu.memory_space<semaphore_mem>>) src(%dma_wait3A_602 : memref<2x128xi32, #tpu.memory_space<hbm>>) dst(%dma_wait3A_600 : memref<2x128xi32, #tpu.memory_space<vmem>>)
      tpu.yield
    }) : () -> ()
    %dma_start3A_92 = arith.constant 2 : i32
    %dma_start3A_93 = arith.constant 0 : i32
    %dma_start3A_94 = arith.constant 512 : i32
    %dma_start3A_95 = arith.constant 0 : i32
    %dma_start3A_96 = tpu.memref_slice %arg6[%dma_start3A_94, %dma_start3A_95] : memref<1024x64xf32, #tpu.memory_space<vmem>> -> memref<128x64xf32, #tpu.memory_space<vmem>>
    %dma_start3A_97 = arith.constant 0 : i32
    %dma_start3A_98 = tpu.memref_slice %arg5[%dma_start3A_92, %dma_start3A_93, %dma_start3A_97] : memref<4x2x128xi32, #tpu.memory_space<vmem>> -> memref<1x1x128xi32, #tpu.memory_space<vmem>>
    %dma_start3A_99 = tpu.memref_squeeze %dma_start3A_98 : memref<1x1x128xi32, #tpu.memory_space<vmem>> -> memref<128xi32, #tpu.memory_space<vmem>>
    %dma_start3A_100 = arith.constant 0 : i32
    %dma_start3A_101 = arith.constant 0 : i32
    %dma_start3A_102 = tpu.memref_slice %arg7[%dma_start3A_100, %dma_start3A_101] : memref<1000x64xf32, #tpu.memory_space<vmem_shared>> -> memref<1000x64xf32, #tpu.memory_space<vmem_shared>>
    tpu.enqueue_indirect_dma source(%dma_start3A_102 : memref<1000x64xf32, #tpu.memory_space<vmem_shared>>) target(%dma_start3A_96 : memref<128x64xf32, #tpu.memory_space<vmem>>) offsets(%dma_start3A_99 : memref<128xi32, #tpu.memory_space<vmem>>) semaphore(%arg10 : memref<!tpu.dma_semaphore, #tpu.memory_space<semaphore_mem>>)
    %dma_start3A_103 = arith.constant 2 : i32
    %dma_start3A_104 = arith.constant 1 : i32
    %dma_start3A_105 = arith.constant 640 : i32
    %dma_start3A_106 = arith.constant 0 : i32
    %dma_start3A_107 = tpu.memref_slice %arg6[%dma_start3A_105, %dma_start3A_106] : memref<1024x64xf32, #tpu.memory_space<vmem>> -> memref<128x64xf32, #tpu.memory_space<vmem>>
    %dma_start3A_108 = arith.constant 0 : i32
    %dma_start3A_109 = tpu.memref_slice %arg5[%dma_start3A_103, %dma_start3A_104, %dma_start3A_108] : memref<4x2x128xi32, #tpu.memory_space<vmem>> -> memref<1x1x128xi32, #tpu.memory_space<vmem>>
    %dma_start3A_110 = tpu.memref_squeeze %dma_start3A_109 : memref<1x1x128xi32, #tpu.memory_space<vmem>> -> memref<128xi32, #tpu.memory_space<vmem>>
    %dma_start3A_111 = arith.constant 0 : i32
    %dma_start3A_112 = arith.constant 0 : i32
    %dma_start3A_113 = tpu.memref_slice %arg7[%dma_start3A_111, %dma_start3A_112] : memref<1000x64xf32, #tpu.memory_space<vmem_shared>> -> memref<1000x64xf32, #tpu.memory_space<vmem_shared>>
    tpu.enqueue_indirect_dma source(%dma_start3A_113 : memref<1000x64xf32, #tpu.memory_space<vmem_shared>>) target(%dma_start3A_107 : memref<128x64xf32, #tpu.memory_space<vmem>>) offsets(%dma_start3A_110 : memref<128xi32, #tpu.memory_space<vmem>>) semaphore(%arg10 : memref<!tpu.dma_semaphore, #tpu.memory_space<semaphore_mem>>)
    %dma_wait3A_114 = arith.constant 1 : i32
    %dma_wait3A_115 = arith.constant 0 : i32
    %dma_wait3A_116 = arith.constant 256 : i32
    %dma_wait3A_117 = arith.constant 0 : i32
    %dma_wait3A_118 = tpu.memref_slice %arg6[%dma_wait3A_116, %dma_wait3A_117] : memref<1024x64xf32, #tpu.memory_space<vmem>> -> memref<128x64xf32, #tpu.memory_space<vmem>>
    %dma_wait3A_119 = arith.constant 0 : i32
    %dma_wait3A_120 = tpu.memref_slice %arg5[%dma_wait3A_114, %dma_wait3A_115, %dma_wait3A_119] : memref<4x2x128xi32, #tpu.memory_space<vmem>> -> memref<1x1x128xi32, #tpu.memory_space<vmem>>
    %dma_wait3A_121 = tpu.memref_squeeze %dma_wait3A_120 : memref<1x1x128xi32, #tpu.memory_space<vmem>> -> memref<128xi32, #tpu.memory_space<vmem>>
    %dma_wait3A_122 = arith.constant 0 : i32
    %dma_wait3A_123 = arith.constant 0 : i32
    %dma_wait3A_124 = tpu.memref_slice %arg7[%dma_wait3A_122, %dma_wait3A_123] : memref<1000x64xf32, #tpu.memory_space<vmem_shared>> -> memref<1000x64xf32, #tpu.memory_space<vmem_shared>>
    tpu.wait_indirect_dma semaphore(%arg9 : memref<!tpu.dma_semaphore, #tpu.memory_space<semaphore_mem>>) src(%dma_wait3A_124 : memref<1000x64xf32, #tpu.memory_space<vmem_shared>>) dst(%dma_wait3A_118 : memref<128x64xf32, #tpu.memory_space<vmem>>)
    %dma_wait3A_125 = arith.constant 1 : i32
    %dma_wait3A_126 = arith.constant 1 : i32
    %dma_wait3A_127 = arith.constant 384 : i32
    %dma_wait3A_128 = arith.constant 0 : i32
    %dma_wait3A_129 = tpu.memref_slice %arg6[%dma_wait3A_127, %dma_wait3A_128] : memref<1024x64xf32, #tpu.memory_space<vmem>> -> memref<128x64xf32, #tpu.memory_space<vmem>>
    %dma_wait3A_130 = arith.constant 0 : i32
    %dma_wait3A_131 = tpu.memref_slice %arg5[%dma_wait3A_125, %dma_wait3A_126, %dma_wait3A_130] : memref<4x2x128xi32, #tpu.memory_space<vmem>> -> memref<1x1x128xi32, #tpu.memory_space<vmem>>
    %dma_wait3A_132 = tpu.memref_squeeze %dma_wait3A_131 : memref<1x1x128xi32, #tpu.memory_space<vmem>> -> memref<128xi32, #tpu.memory_space<vmem>>
    %dma_wait3A_133 = arith.constant 0 : i32
    %dma_wait3A_134 = arith.constant 0 : i32
    %dma_wait3A_135 = tpu.memref_slice %arg7[%dma_wait3A_133, %dma_wait3A_134] : memref<1000x64xf32, #tpu.memory_space<vmem_shared>> -> memref<1000x64xf32, #tpu.memory_space<vmem_shared>>
    tpu.wait_indirect_dma semaphore(%arg9 : memref<!tpu.dma_semaphore, #tpu.memory_space<semaphore_mem>>) src(%dma_wait3A_135 : memref<1000x64xf32, #tpu.memory_space<vmem_shared>>) dst(%dma_wait3A_129 : memref<128x64xf32, #tpu.memory_space<vmem>>)
    %add3A_136 = arith.constant 256 : i32
    %add3A_137 = arith.addi %multiple_of3A_7, %add3A_136 : i32
    %dma_start3A_138 = arith.constant 256 : i32
    %dma_start3A_139 = arith.constant 0 : i32
    %dma_start3A_140 = tpu.memref_slice %arg6[%dma_start3A_138, %dma_start3A_139] : memref<1024x64xf32, #tpu.memory_space<vmem>> -> memref<256x64xf32, #tpu.memory_space<vmem>>
    %dma_start3A_141 = arith.constant 0 : i32
    %dma_start3A_142 = tpu.memref_slice %arg4[%add3A_137, %dma_start3A_141] : memref<3276800x64xf32, #tpu.memory_space<hbm>> -> memref<256x64xf32, #tpu.memory_space<hbm>>
    %dma_start3A_143 = arith.constant 0 : i32
    %dma_start3A_144 = tpu.memref_slice %arg4[%add3A_137, %dma_start3A_143] : memref<3276800x64xf32, #tpu.memory_space<hbm>> -> memref<256x64xf32, #tpu.memory_space<hbm>>
    %dma_start3A_145 = arith.constant 256 : i32
    %dma_start3A_146 = arith.constant 0 : i32
    %dma_start3A_147 = tpu.memref_slice %arg6[%dma_start3A_145, %dma_start3A_146] : memref<1024x64xf32, #tpu.memory_space<vmem>> -> memref<256x64xf32, #tpu.memory_space<vmem>>
    tpu.enqueue_dma source(%dma_start3A_147 : memref<256x64xf32, #tpu.memory_space<vmem>>) target(%dma_start3A_144 : memref<256x64xf32, #tpu.memory_space<hbm>>) target_semaphore(%arg13 : memref<!tpu.dma_semaphore, #tpu.memory_space<semaphore_mem>>)
    %add3A_148 = arith.constant 6 : i32
    %add3A_149 = arith.addi %multiple_of3A, %add3A_148 : i32
    %run_scoped3A_150 = arith.constant 3 : i32
    "tpu.region"() ({
      %run_scoped3A_578 = tpu.sem_alloc : memref<!tpu.dma_semaphore, #tpu.memory_space<semaphore_mem>>
      %dma_start3A_579 = arith.constant 0 : i32
      %dma_start3A_580 = arith.constant 0 : i32
      %dma_start3A_581 = tpu.memref_slice %arg5[%run_scoped3A_150, %dma_start3A_579, %dma_start3A_580] : memref<4x2x128xi32, #tpu.memory_space<vmem>> -> memref<1x2x128xi32, #tpu.memory_space<vmem>>
      %dma_start3A_582 = tpu.memref_squeeze %dma_start3A_581 : memref<1x2x128xi32, #tpu.memory_space<vmem>> -> memref<2x128xi32, #tpu.memory_space<vmem>>
      %dma_start3A_583 = arith.constant 0 : i32
      %dma_start3A_584 = tpu.memref_slice %arg3[%add3A_149, %dma_start3A_583] : memref<25600x128xi32, #tpu.memory_space<hbm>> -> memref<2x128xi32, #tpu.memory_space<hbm>>
      %dma_start3A_585 = arith.constant 0 : i32
      %dma_start3A_586 = arith.constant 0 : i32
      %dma_start3A_587 = tpu.memref_slice %arg5[%run_scoped3A_150, %dma_start3A_585, %dma_start3A_586] : memref<4x2x128xi32, #tpu.memory_space<vmem>> -> memref<1x2x128xi32, #tpu.memory_space<vmem>>
      %dma_start3A_588 = tpu.memref_squeeze %dma_start3A_587 : memref<1x2x128xi32, #tpu.memory_space<vmem>> -> memref<2x128xi32, #tpu.memory_space<vmem>>
      %dma_start3A_589 = arith.constant 0 : i32
      %dma_start3A_590 = tpu.memref_slice %arg3[%add3A_149, %dma_start3A_589] : memref<25600x128xi32, #tpu.memory_space<hbm>> -> memref<2x128xi32, #tpu.memory_space<hbm>>
      tpu.enqueue_dma source(%dma_start3A_590 : memref<2x128xi32, #tpu.memory_space<hbm>>) target(%dma_start3A_588 : memref<2x128xi32, #tpu.memory_space<vmem>>) target_semaphore(%run_scoped3A_578 : memref<!tpu.dma_semaphore, #tpu.memory_space<semaphore_mem>>)
      %dma_wait3A_591 = arith.constant 0 : i32
      %dma_wait3A_592 = arith.constant 0 : i32
      %dma_wait3A_593 = tpu.memref_slice %arg5[%run_scoped3A_150, %dma_wait3A_591, %dma_wait3A_592] : memref<4x2x128xi32, #tpu.memory_space<vmem>> -> memref<1x2x128xi32, #tpu.memory_space<vmem>>
      %dma_wait3A_594 = tpu.memref_squeeze %dma_wait3A_593 : memref<1x2x128xi32, #tpu.memory_space<vmem>> -> memref<2x128xi32, #tpu.memory_space<vmem>>
      %dma_wait3A_595 = arith.constant 0 : i32
      %dma_wait3A_596 = tpu.memref_slice %arg3[%add3A_149, %dma_wait3A_595] : memref<25600x128xi32, #tpu.memory_space<hbm>> -> memref<2x128xi32, #tpu.memory_space<hbm>>
      %dma_wait3A_597 = arith.constant 0 : i32
      %dma_wait3A_598 = arith.constant 0 : i32
      %dma_wait3A_599 = tpu.memref_slice %arg5[%run_scoped3A_150, %dma_wait3A_597, %dma_wait3A_598] : memref<4x2x128xi32, #tpu.memory_space<vmem>> -> memref<1x2x128xi32, #tpu.memory_space<vmem>>
      %dma_wait3A_600 = tpu.memref_squeeze %dma_wait3A_599 : memref<1x2x128xi32, #tpu.memory_space<vmem>> -> memref<2x128xi32, #tpu.memory_space<vmem>>
      %dma_wait3A_601 = arith.constant 0 : i32
      %dma_wait3A_602 = tpu.memref_slice %arg3[%add3A_149, %dma_wait3A_601] : memref<25600x128xi32, #tpu.memory_space<hbm>> -> memref<2x128xi32, #tpu.memory_space<hbm>>
      tpu.wait_dma2 semaphore(%run_scoped3A_578 : memref<!tpu.dma_semaphore, #tpu.memory_space<semaphore_mem>>) src(%dma_wait3A_602 : memref<2x128xi32, #tpu.memory_space<hbm>>) dst(%dma_wait3A_600 : memref<2x128xi32, #tpu.memory_space<vmem>>)
      tpu.yield
    }) : () -> ()
    %dma_start3A_151 = arith.constant 3 : i32
    %dma_start3A_152 = arith.constant 0 : i32
    %dma_start3A_153 = arith.constant 768 : i32
    %dma_start3A_154 = arith.constant 0 : i32
    %dma_start3A_155 = tpu.memref_slice %arg6[%dma_start3A_153, %dma_start3A_154] : memref<1024x64xf32, #tpu.memory_space<vmem>> -> memref<128x64xf32, #tpu.memory_space<vmem>>
    %dma_start3A_156 = arith.constant 0 : i32
    %dma_start3A_157 = tpu.memref_slice %arg5[%dma_start3A_151, %dma_start3A_152, %dma_start3A_156] : memref<4x2x128xi32, #tpu.memory_space<vmem>> -> memref<1x1x128xi32, #tpu.memory_space<vmem>>
    %dma_start3A_158 = tpu.memref_squeeze %dma_start3A_157 : memref<1x1x128xi32, #tpu.memory_space<vmem>> -> memref<128xi32, #tpu.memory_space<vmem>>
    %dma_start3A_159 = arith.constant 0 : i32
    %dma_start3A_160 = arith.constant 0 : i32
    %dma_start3A_161 = tpu.memref_slice %arg7[%dma_start3A_159, %dma_start3A_160] : memref<1000x64xf32, #tpu.memory_space<vmem_shared>> -> memref<1000x64xf32, #tpu.memory_space<vmem_shared>>
    tpu.enqueue_indirect_dma source(%dma_start3A_161 : memref<1000x64xf32, #tpu.memory_space<vmem_shared>>) target(%dma_start3A_155 : memref<128x64xf32, #tpu.memory_space<vmem>>) offsets(%dma_start3A_158 : memref<128xi32, #tpu.memory_space<vmem>>) semaphore(%arg11 : memref<!tpu.dma_semaphore, #tpu.memory_space<semaphore_mem>>)
    %dma_start3A_162 = arith.constant 3 : i32
    %dma_start3A_163 = arith.constant 1 : i32
    %dma_start3A_164 = arith.constant 896 : i32
    %dma_start3A_165 = arith.constant 0 : i32
    %dma_start3A_166 = tpu.memref_slice %arg6[%dma_start3A_164, %dma_start3A_165] : memref<1024x64xf32, #tpu.memory_space<vmem>> -> memref<128x64xf32, #tpu.memory_space<vmem>>
    %dma_start3A_167 = arith.constant 0 : i32
    %dma_start3A_168 = tpu.memref_slice %arg5[%dma_start3A_162, %dma_start3A_163, %dma_start3A_167] : memref<4x2x128xi32, #tpu.memory_space<vmem>> -> memref<1x1x128xi32, #tpu.memory_space<vmem>>
    %dma_start3A_169 = tpu.memref_squeeze %dma_start3A_168 : memref<1x1x128xi32, #tpu.memory_space<vmem>> -> memref<128xi32, #tpu.memory_space<vmem>>
    %dma_start3A_170 = arith.constant 0 : i32
    %dma_start3A_171 = arith.constant 0 : i32
    %dma_start3A_172 = tpu.memref_slice %arg7[%dma_start3A_170, %dma_start3A_171] : memref<1000x64xf32, #tpu.memory_space<vmem_shared>> -> memref<1000x64xf32, #tpu.memory_space<vmem_shared>>
    tpu.enqueue_indirect_dma source(%dma_start3A_172 : memref<1000x64xf32, #tpu.memory_space<vmem_shared>>) target(%dma_start3A_166 : memref<128x64xf32, #tpu.memory_space<vmem>>) offsets(%dma_start3A_169 : memref<128xi32, #tpu.memory_space<vmem>>) semaphore(%arg11 : memref<!tpu.dma_semaphore, #tpu.memory_space<semaphore_mem>>)
    %dma_wait3A_173 = arith.constant 2 : i32
    %dma_wait3A_174 = arith.constant 0 : i32
    %dma_wait3A_175 = arith.constant 512 : i32
    %dma_wait3A_176 = arith.constant 0 : i32
    %dma_wait3A_177 = tpu.memref_slice %arg6[%dma_wait3A_175, %dma_wait3A_176] : memref<1024x64xf32, #tpu.memory_space<vmem>> -> memref<128x64xf32, #tpu.memory_space<vmem>>
    %dma_wait3A_178 = arith.constant 0 : i32
    %dma_wait3A_179 = tpu.memref_slice %arg5[%dma_wait3A_173, %dma_wait3A_174, %dma_wait3A_178] : memref<4x2x128xi32, #tpu.memory_space<vmem>> -> memref<1x1x128xi32, #tpu.memory_space<vmem>>
    %dma_wait3A_180 = tpu.memref_squeeze %dma_wait3A_179 : memref<1x1x128xi32, #tpu.memory_space<vmem>> -> memref<128xi32, #tpu.memory_space<vmem>>
    %dma_wait3A_181 = arith.constant 0 : i32
    %dma_wait3A_182 = arith.constant 0 : i32
    %dma_wait3A_183 = tpu.memref_slice %arg7[%dma_wait3A_181, %dma_wait3A_182] : memref<1000x64xf32, #tpu.memory_space<vmem_shared>> -> memref<1000x64xf32, #tpu.memory_space<vmem_shared>>
    tpu.wait_indirect_dma semaphore(%arg10 : memref<!tpu.dma_semaphore, #tpu.memory_space<semaphore_mem>>) src(%dma_wait3A_183 : memref<1000x64xf32, #tpu.memory_space<vmem_shared>>) dst(%dma_wait3A_177 : memref<128x64xf32, #tpu.memory_space<vmem>>)
    %dma_wait3A_184 = arith.constant 2 : i32
    %dma_wait3A_185 = arith.constant 1 : i32
    %dma_wait3A_186 = arith.constant 640 : i32
    %dma_wait3A_187 = arith.constant 0 : i32
    %dma_wait3A_188 = tpu.memref_slice %arg6[%dma_wait3A_186, %dma_wait3A_187] : memref<1024x64xf32, #tpu.memory_space<vmem>> -> memref<128x64xf32, #tpu.memory_space<vmem>>
    %dma_wait3A_189 = arith.constant 0 : i32
    %dma_wait3A_190 = tpu.memref_slice %arg5[%dma_wait3A_184, %dma_wait3A_185, %dma_wait3A_189] : memref<4x2x128xi32, #tpu.memory_space<vmem>> -> memref<1x1x128xi32, #tpu.memory_space<vmem>>
    %dma_wait3A_191 = tpu.memref_squeeze %dma_wait3A_190 : memref<1x1x128xi32, #tpu.memory_space<vmem>> -> memref<128xi32, #tpu.memory_space<vmem>>
    %dma_wait3A_192 = arith.constant 0 : i32
    %dma_wait3A_193 = arith.constant 0 : i32
    %dma_wait3A_194 = tpu.memref_slice %arg7[%dma_wait3A_192, %dma_wait3A_193] : memref<1000x64xf32, #tpu.memory_space<vmem_shared>> -> memref<1000x64xf32, #tpu.memory_space<vmem_shared>>
    tpu.wait_indirect_dma semaphore(%arg10 : memref<!tpu.dma_semaphore, #tpu.memory_space<semaphore_mem>>) src(%dma_wait3A_194 : memref<1000x64xf32, #tpu.memory_space<vmem_shared>>) dst(%dma_wait3A_188 : memref<128x64xf32, #tpu.memory_space<vmem>>)
    %add3A_195 = arith.constant 512 : i32
    %add3A_196 = arith.addi %multiple_of3A_7, %add3A_195 : i32
    %dma_start3A_197 = arith.constant 512 : i32
    %dma_start3A_198 = arith.constant 0 : i32
    %dma_start3A_199 = tpu.memref_slice %arg6[%dma_start3A_197, %dma_start3A_198] : memref<1024x64xf32, #tpu.memory_space<vmem>> -> memref<256x64xf32, #tpu.memory_space<vmem>>
    %dma_start3A_200 = arith.constant 0 : i32
    %dma_start3A_201 = tpu.memref_slice %arg4[%add3A_196, %dma_start3A_200] : memref<3276800x64xf32, #tpu.memory_space<hbm>> -> memref<256x64xf32, #tpu.memory_space<hbm>>
    %dma_start3A_202 = arith.constant 0 : i32
    %dma_start3A_203 = tpu.memref_slice %arg4[%add3A_196, %dma_start3A_202] : memref<3276800x64xf32, #tpu.memory_space<hbm>> -> memref<256x64xf32, #tpu.memory_space<hbm>>
    %dma_start3A_204 = arith.constant 512 : i32
    %dma_start3A_205 = arith.constant 0 : i32
    %dma_start3A_206 = tpu.memref_slice %arg6[%dma_start3A_204, %dma_start3A_205] : memref<1024x64xf32, #tpu.memory_space<vmem>> -> memref<256x64xf32, #tpu.memory_space<vmem>>
    tpu.enqueue_dma source(%dma_start3A_206 : memref<256x64xf32, #tpu.memory_space<vmem>>) target(%dma_start3A_203 : memref<256x64xf32, #tpu.memory_space<hbm>>) target_semaphore(%arg14 : memref<!tpu.dma_semaphore, #tpu.memory_space<semaphore_mem>>)
    %add3A_207 = arith.constant 0 : i32
    %add3A_208 = arith.addi %multiple_of3A_7, %add3A_207 : i32
    %dma_wait3A_209 = arith.constant 0 : i32
    %dma_wait3A_210 = arith.constant 0 : i32
    %dma_wait3A_211 = tpu.memref_slice %arg6[%dma_wait3A_209, %dma_wait3A_210] : memref<1024x64xf32, #tpu.memory_space<vmem>> -> memref<256x64xf32, #tpu.memory_space<vmem>>
    %dma_wait3A_212 = arith.constant 0 : i32
    %dma_wait3A_213 = tpu.memref_slice %arg4[%add3A_208, %dma_wait3A_212] : memref<3276800x64xf32, #tpu.memory_space<hbm>> -> memref<256x64xf32, #tpu.memory_space<hbm>>
    %dma_wait3A_214 = arith.constant 0 : i32
    %dma_wait3A_215 = tpu.memref_slice %arg4[%add3A_208, %dma_wait3A_214] : memref<3276800x64xf32, #tpu.memory_space<hbm>> -> memref<256x64xf32, #tpu.memory_space<hbm>>
    %dma_wait3A_216 = arith.constant 0 : i32
    %dma_wait3A_217 = arith.constant 0 : i32
    %dma_wait3A_218 = tpu.memref_slice %arg6[%dma_wait3A_216, %dma_wait3A_217] : memref<1024x64xf32, #tpu.memory_space<vmem>> -> memref<256x64xf32, #tpu.memory_space<vmem>>
    tpu.wait_dma2 semaphore(%arg12 : memref<!tpu.dma_semaphore, #tpu.memory_space<semaphore_mem>>) src(%dma_wait3A_218 : memref<256x64xf32, #tpu.memory_space<vmem>>) dst(%dma_wait3A_215 : memref<256x64xf32, #tpu.memory_space<hbm>>)
    %add3A_219 = arith.constant 8 : i32
    %add3A_220 = arith.addi %multiple_of3A, %add3A_219 : i32
    %run_scoped3A_221 = arith.constant 0 : i32
    "tpu.region"() ({
      %run_scoped3A_578 = tpu.sem_alloc : memref<!tpu.dma_semaphore, #tpu.memory_space<semaphore_mem>>
      %dma_start3A_579 = arith.constant 0 : i32
      %dma_start3A_580 = arith.constant 0 : i32
      %dma_start3A_581 = tpu.memref_slice %arg5[%run_scoped3A_221, %dma_start3A_579, %dma_start3A_580] : memref<4x2x128xi32, #tpu.memory_space<vmem>> -> memref<1x2x128xi32, #tpu.memory_space<vmem>>
      %dma_start3A_582 = tpu.memref_squeeze %dma_start3A_581 : memref<1x2x128xi32, #tpu.memory_space<vmem>> -> memref<2x128xi32, #tpu.memory_space<vmem>>
      %dma_start3A_583 = arith.constant 0 : i32
      %dma_start3A_584 = tpu.memref_slice %arg3[%add3A_220, %dma_start3A_583] : memref<25600x128xi32, #tpu.memory_space<hbm>> -> memref<2x128xi32, #tpu.memory_space<hbm>>
      %dma_start3A_585 = arith.constant 0 : i32
      %dma_start3A_586 = arith.constant 0 : i32
      %dma_start3A_587 = tpu.memref_slice %arg5[%run_scoped3A_221, %dma_start3A_585, %dma_start3A_586] : memref<4x2x128xi32, #tpu.memory_space<vmem>> -> memref<1x2x128xi32, #tpu.memory_space<vmem>>
      %dma_start3A_588 = tpu.memref_squeeze %dma_start3A_587 : memref<1x2x128xi32, #tpu.memory_space<vmem>> -> memref<2x128xi32, #tpu.memory_space<vmem>>
      %dma_start3A_589 = arith.constant 0 : i32
      %dma_start3A_590 = tpu.memref_slice %arg3[%add3A_220, %dma_start3A_589] : memref<25600x128xi32, #tpu.memory_space<hbm>> -> memref<2x128xi32, #tpu.memory_space<hbm>>
      tpu.enqueue_dma source(%dma_start3A_590 : memref<2x128xi32, #tpu.memory_space<hbm>>) target(%dma_start3A_588 : memref<2x128xi32, #tpu.memory_space<vmem>>) target_semaphore(%run_scoped3A_578 : memref<!tpu.dma_semaphore, #tpu.memory_space<semaphore_mem>>)
      %dma_wait3A_591 = arith.constant 0 : i32
      %dma_wait3A_592 = arith.constant 0 : i32
      %dma_wait3A_593 = tpu.memref_slice %arg5[%run_scoped3A_221, %dma_wait3A_591, %dma_wait3A_592] : memref<4x2x128xi32, #tpu.memory_space<vmem>> -> memref<1x2x128xi32, #tpu.memory_space<vmem>>
      %dma_wait3A_594 = tpu.memref_squeeze %dma_wait3A_593 : memref<1x2x128xi32, #tpu.memory_space<vmem>> -> memref<2x128xi32, #tpu.memory_space<vmem>>
      %dma_wait3A_595 = arith.constant 0 : i32
      %dma_wait3A_596 = tpu.memref_slice %arg3[%add3A_220, %dma_wait3A_595] : memref<25600x128xi32, #tpu.memory_space<hbm>> -> memref<2x128xi32, #tpu.memory_space<hbm>>
      %dma_wait3A_597 = arith.constant 0 : i32
      %dma_wait3A_598 = arith.constant 0 : i32
      %dma_wait3A_599 = tpu.memref_slice %arg5[%run_scoped3A_221, %dma_wait3A_597, %dma_wait3A_598] : memref<4x2x128xi32, #tpu.memory_space<vmem>> -> memref<1x2x128xi32, #tpu.memory_space<vmem>>
      %dma_wait3A_600 = tpu.memref_squeeze %dma_wait3A_599 : memref<1x2x128xi32, #tpu.memory_space<vmem>> -> memref<2x128xi32, #tpu.memory_space<vmem>>
      %dma_wait3A_601 = arith.constant 0 : i32
      %dma_wait3A_602 = tpu.memref_slice %arg3[%add3A_220, %dma_wait3A_601] : memref<25600x128xi32, #tpu.memory_space<hbm>> -> memref<2x128xi32, #tpu.memory_space<hbm>>
      tpu.wait_dma2 semaphore(%run_scoped3A_578 : memref<!tpu.dma_semaphore, #tpu.memory_space<semaphore_mem>>) src(%dma_wait3A_602 : memref<2x128xi32, #tpu.memory_space<hbm>>) dst(%dma_wait3A_600 : memref<2x128xi32, #tpu.memory_space<vmem>>)
      tpu.yield
    }) : () -> ()
    %dma_start3A_222 = arith.constant 0 : i32
    %dma_start3A_223 = arith.constant 0 : i32
    %dma_start3A_224 = arith.constant 0 : i32
    %dma_start3A_225 = arith.constant 0 : i32
    %dma_start3A_226 = tpu.memref_slice %arg6[%dma_start3A_224, %dma_start3A_225] : memref<1024x64xf32, #tpu.memory_space<vmem>> -> memref<128x64xf32, #tpu.memory_space<vmem>>
    %dma_start3A_227 = arith.constant 0 : i32
    %dma_start3A_228 = tpu.memref_slice %arg5[%dma_start3A_222, %dma_start3A_223, %dma_start3A_227] : memref<4x2x128xi32, #tpu.memory_space<vmem>> -> memref<1x1x128xi32, #tpu.memory_space<vmem>>
    %dma_start3A_229 = tpu.memref_squeeze %dma_start3A_228 : memref<1x1x128xi32, #tpu.memory_space<vmem>> -> memref<128xi32, #tpu.memory_space<vmem>>
    %dma_start3A_230 = arith.constant 0 : i32
    %dma_start3A_231 = arith.constant 0 : i32
    %dma_start3A_232 = tpu.memref_slice %arg7[%dma_start3A_230, %dma_start3A_231] : memref<1000x64xf32, #tpu.memory_space<vmem_shared>> -> memref<1000x64xf32, #tpu.memory_space<vmem_shared>>
    tpu.enqueue_indirect_dma source(%dma_start3A_232 : memref<1000x64xf32, #tpu.memory_space<vmem_shared>>) target(%dma_start3A_226 : memref<128x64xf32, #tpu.memory_space<vmem>>) offsets(%dma_start3A_229 : memref<128xi32, #tpu.memory_space<vmem>>) semaphore(%arg8 : memref<!tpu.dma_semaphore, #tpu.memory_space<semaphore_mem>>)
    %dma_start3A_233 = arith.constant 0 : i32
    %dma_start3A_234 = arith.constant 1 : i32
    %dma_start3A_235 = arith.constant 128 : i32
    %dma_start3A_236 = arith.constant 0 : i32
    %dma_start3A_237 = tpu.memref_slice %arg6[%dma_start3A_235, %dma_start3A_236] : memref<1024x64xf32, #tpu.memory_space<vmem>> -> memref<128x64xf32, #tpu.memory_space<vmem>>
    %dma_start3A_238 = arith.constant 0 : i32
    %dma_start3A_239 = tpu.memref_slice %arg5[%dma_start3A_233, %dma_start3A_234, %dma_start3A_238] : memref<4x2x128xi32, #tpu.memory_space<vmem>> -> memref<1x1x128xi32, #tpu.memory_space<vmem>>
    %dma_start3A_240 = tpu.memref_squeeze %dma_start3A_239 : memref<1x1x128xi32, #tpu.memory_space<vmem>> -> memref<128xi32, #tpu.memory_space<vmem>>
    %dma_start3A_241 = arith.constant 0 : i32
    %dma_start3A_242 = arith.constant 0 : i32
    %dma_start3A_243 = tpu.memref_slice %arg7[%dma_start3A_241, %dma_start3A_242] : memref<1000x64xf32, #tpu.memory_space<vmem_shared>> -> memref<1000x64xf32, #tpu.memory_space<vmem_shared>>
    tpu.enqueue_indirect_dma source(%dma_start3A_243 : memref<1000x64xf32, #tpu.memory_space<vmem_shared>>) target(%dma_start3A_237 : memref<128x64xf32, #tpu.memory_space<vmem>>) offsets(%dma_start3A_240 : memref<128xi32, #tpu.memory_space<vmem>>) semaphore(%arg8 : memref<!tpu.dma_semaphore, #tpu.memory_space<semaphore_mem>>)
    %dma_wait3A_244 = arith.constant 3 : i32
    %dma_wait3A_245 = arith.constant 0 : i32
    %dma_wait3A_246 = arith.constant 768 : i32
    %dma_wait3A_247 = arith.constant 0 : i32
    %dma_wait3A_248 = tpu.memref_slice %arg6[%dma_wait3A_246, %dma_wait3A_247] : memref<1024x64xf32, #tpu.memory_space<vmem>> -> memref<128x64xf32, #tpu.memory_space<vmem>>
    %dma_wait3A_249 = arith.constant 0 : i32
    %dma_wait3A_250 = tpu.memref_slice %arg5[%dma_wait3A_244, %dma_wait3A_245, %dma_wait3A_249] : memref<4x2x128xi32, #tpu.memory_space<vmem>> -> memref<1x1x128xi32, #tpu.memory_space<vmem>>
    %dma_wait3A_251 = tpu.memref_squeeze %dma_wait3A_250 : memref<1x1x128xi32, #tpu.memory_space<vmem>> -> memref<128xi32, #tpu.memory_space<vmem>>
    %dma_wait3A_252 = arith.constant 0 : i32
    %dma_wait3A_253 = arith.constant 0 : i32
    %dma_wait3A_254 = tpu.memref_slice %arg7[%dma_wait3A_252, %dma_wait3A_253] : memref<1000x64xf32, #tpu.memory_space<vmem_shared>> -> memref<1000x64xf32, #tpu.memory_space<vmem_shared>>
    tpu.wait_indirect_dma semaphore(%arg11 : memref<!tpu.dma_semaphore, #tpu.memory_space<semaphore_mem>>) src(%dma_wait3A_254 : memref<1000x64xf32, #tpu.memory_space<vmem_shared>>) dst(%dma_wait3A_248 : memref<128x64xf32, #tpu.memory_space<vmem>>)
    %dma_wait3A_255 = arith.constant 3 : i32
    %dma_wait3A_256 = arith.constant 1 : i32
    %dma_wait3A_257 = arith.constant 896 : i32
    %dma_wait3A_258 = arith.constant 0 : i32
    %dma_wait3A_259 = tpu.memref_slice %arg6[%dma_wait3A_257, %dma_wait3A_258] : memref<1024x64xf32, #tpu.memory_space<vmem>> -> memref<128x64xf32, #tpu.memory_space<vmem>>
    %dma_wait3A_260 = arith.constant 0 : i32
    %dma_wait3A_261 = tpu.memref_slice %arg5[%dma_wait3A_255, %dma_wait3A_256, %dma_wait3A_260] : memref<4x2x128xi32, #tpu.memory_space<vmem>> -> memref<1x1x128xi32, #tpu.memory_space<vmem>>
    %dma_wait3A_262 = tpu.memref_squeeze %dma_wait3A_261 : memref<1x1x128xi32, #tpu.memory_space<vmem>> -> memref<128xi32, #tpu.memory_space<vmem>>
    %dma_wait3A_263 = arith.constant 0 : i32
    %dma_wait3A_264 = arith.constant 0 : i32
    %dma_wait3A_265 = tpu.memref_slice %arg7[%dma_wait3A_263, %dma_wait3A_264] : memref<1000x64xf32, #tpu.memory_space<vmem_shared>> -> memref<1000x64xf32, #tpu.memory_space<vmem_shared>>
    tpu.wait_indirect_dma semaphore(%arg11 : memref<!tpu.dma_semaphore, #tpu.memory_space<semaphore_mem>>) src(%dma_wait3A_265 : memref<1000x64xf32, #tpu.memory_space<vmem_shared>>) dst(%dma_wait3A_259 : memref<128x64xf32, #tpu.memory_space<vmem>>)
    %add3A_266 = arith.constant 768 : i32
    %add3A_267 = arith.addi %multiple_of3A_7, %add3A_266 : i32
    %dma_start3A_268 = arith.constant 768 : i32
    %dma_start3A_269 = arith.constant 0 : i32
    %dma_start3A_270 = tpu.memref_slice %arg6[%dma_start3A_268, %dma_start3A_269] : memref<1024x64xf32, #tpu.memory_space<vmem>> -> memref<256x64xf32, #tpu.memory_space<vmem>>
    %dma_start3A_271 = arith.constant 0 : i32
    %dma_start3A_272 = tpu.memref_slice %arg4[%add3A_267, %dma_start3A_271] : memref<3276800x64xf32, #tpu.memory_space<hbm>> -> memref<256x64xf32, #tpu.memory_space<hbm>>
    %dma_start3A_273 = arith.constant 0 : i32
    %dma_start3A_274 = tpu.memref_slice %arg4[%add3A_267, %dma_start3A_273] : memref<3276800x64xf32, #tpu.memory_space<hbm>> -> memref<256x64xf32, #tpu.memory_space<hbm>>
    %dma_start3A_275 = arith.constant 768 : i32
    %dma_start3A_276 = arith.constant 0 : i32
    %dma_start3A_277 = tpu.memref_slice %arg6[%dma_start3A_275, %dma_start3A_276] : memref<1024x64xf32, #tpu.memory_space<vmem>> -> memref<256x64xf32, #tpu.memory_space<vmem>>
    tpu.enqueue_dma source(%dma_start3A_277 : memref<256x64xf32, #tpu.memory_space<vmem>>) target(%dma_start3A_274 : memref<256x64xf32, #tpu.memory_space<hbm>>) target_semaphore(%arg15 : memref<!tpu.dma_semaphore, #tpu.memory_space<semaphore_mem>>)
    %add3A_278 = arith.constant 256 : i32
    %add3A_279 = arith.addi %multiple_of3A_7, %add3A_278 : i32
    %dma_wait3A_280 = arith.constant 256 : i32
    %dma_wait3A_281 = arith.constant 0 : i32
    %dma_wait3A_282 = tpu.memref_slice %arg6[%dma_wait3A_280, %dma_wait3A_281] : memref<1024x64xf32, #tpu.memory_space<vmem>> -> memref<256x64xf32, #tpu.memory_space<vmem>>
    %dma_wait3A_283 = arith.constant 0 : i32
    %dma_wait3A_284 = tpu.memref_slice %arg4[%add3A_279, %dma_wait3A_283] : memref<3276800x64xf32, #tpu.memory_space<hbm>> -> memref<256x64xf32, #tpu.memory_space<hbm>>
    %dma_wait3A_285 = arith.constant 0 : i32
    %dma_wait3A_286 = tpu.memref_slice %arg4[%add3A_279, %dma_wait3A_285] : memref<3276800x64xf32, #tpu.memory_space<hbm>> -> memref<256x64xf32, #tpu.memory_space<hbm>>
    %dma_wait3A_287 = arith.constant 256 : i32
    %dma_wait3A_288 = arith.constant 0 : i32
    %dma_wait3A_289 = tpu.memref_slice %arg6[%dma_wait3A_287, %dma_wait3A_288] : memref<1024x64xf32, #tpu.memory_space<vmem>> -> memref<256x64xf32, #tpu.memory_space<vmem>>
    tpu.wait_dma2 semaphore(%arg13 : memref<!tpu.dma_semaphore, #tpu.memory_space<semaphore_mem>>) src(%dma_wait3A_289 : memref<256x64xf32, #tpu.memory_space<vmem>>) dst(%dma_wait3A_286 : memref<256x64xf32, #tpu.memory_space<hbm>>)
    %add3A_290 = arith.constant 10 : i32
    %add3A_291 = arith.addi %multiple_of3A, %add3A_290 : i32
    %run_scoped3A_292 = arith.constant 1 : i32
    "tpu.region"() ({
      %run_scoped3A_578 = tpu.sem_alloc : memref<!tpu.dma_semaphore, #tpu.memory_space<semaphore_mem>>
      %dma_start3A_579 = arith.constant 0 : i32
      %dma_start3A_580 = arith.constant 0 : i32
      %dma_start3A_581 = tpu.memref_slice %arg5[%run_scoped3A_292, %dma_start3A_579, %dma_start3A_580] : memref<4x2x128xi32, #tpu.memory_space<vmem>> -> memref<1x2x128xi32, #tpu.memory_space<vmem>>
      %dma_start3A_582 = tpu.memref_squeeze %dma_start3A_581 : memref<1x2x128xi32, #tpu.memory_space<vmem>> -> memref<2x128xi32, #tpu.memory_space<vmem>>
      %dma_start3A_583 = arith.constant 0 : i32
      %dma_start3A_584 = tpu.memref_slice %arg3[%add3A_291, %dma_start3A_583] : memref<25600x128xi32, #tpu.memory_space<hbm>> -> memref<2x128xi32, #tpu.memory_space<hbm>>
      %dma_start3A_585 = arith.constant 0 : i32
      %dma_start3A_586 = arith.constant 0 : i32
      %dma_start3A_587 = tpu.memref_slice %arg5[%run_scoped3A_292, %dma_start3A_585, %dma_start3A_586] : memref<4x2x128xi32, #tpu.memory_space<vmem>> -> memref<1x2x128xi32, #tpu.memory_space<vmem>>
      %dma_start3A_588 = tpu.memref_squeeze %dma_start3A_587 : memref<1x2x128xi32, #tpu.memory_space<vmem>> -> memref<2x128xi32, #tpu.memory_space<vmem>>
      %dma_start3A_589 = arith.constant 0 : i32
      %dma_start3A_590 = tpu.memref_slice %arg3[%add3A_291, %dma_start3A_589] : memref<25600x128xi32, #tpu.memory_space<hbm>> -> memref<2x128xi32, #tpu.memory_space<hbm>>
      tpu.enqueue_dma source(%dma_start3A_590 : memref<2x128xi32, #tpu.memory_space<hbm>>) target(%dma_start3A_588 : memref<2x128xi32, #tpu.memory_space<vmem>>) target_semaphore(%run_scoped3A_578 : memref<!tpu.dma_semaphore, #tpu.memory_space<semaphore_mem>>)
      %dma_wait3A_591 = arith.constant 0 : i32
      %dma_wait3A_592 = arith.constant 0 : i32
      %dma_wait3A_593 = tpu.memref_slice %arg5[%run_scoped3A_292, %dma_wait3A_591, %dma_wait3A_592] : memref<4x2x128xi32, #tpu.memory_space<vmem>> -> memref<1x2x128xi32, #tpu.memory_space<vmem>>
      %dma_wait3A_594 = tpu.memref_squeeze %dma_wait3A_593 : memref<1x2x128xi32, #tpu.memory_space<vmem>> -> memref<2x128xi32, #tpu.memory_space<vmem>>
      %dma_wait3A_595 = arith.constant 0 : i32
      %dma_wait3A_596 = tpu.memref_slice %arg3[%add3A_291, %dma_wait3A_595] : memref<25600x128xi32, #tpu.memory_space<hbm>> -> memref<2x128xi32, #tpu.memory_space<hbm>>
      %dma_wait3A_597 = arith.constant 0 : i32
      %dma_wait3A_598 = arith.constant 0 : i32
      %dma_wait3A_599 = tpu.memref_slice %arg5[%run_scoped3A_292, %dma_wait3A_597, %dma_wait3A_598] : memref<4x2x128xi32, #tpu.memory_space<vmem>> -> memref<1x2x128xi32, #tpu.memory_space<vmem>>
      %dma_wait3A_600 = tpu.memref_squeeze %dma_wait3A_599 : memref<1x2x128xi32, #tpu.memory_space<vmem>> -> memref<2x128xi32, #tpu.memory_space<vmem>>
      %dma_wait3A_601 = arith.constant 0 : i32
      %dma_wait3A_602 = tpu.memref_slice %arg3[%add3A_291, %dma_wait3A_601] : memref<25600x128xi32, #tpu.memory_space<hbm>> -> memref<2x128xi32, #tpu.memory_space<hbm>>
      tpu.wait_dma2 semaphore(%run_scoped3A_578 : memref<!tpu.dma_semaphore, #tpu.memory_space<semaphore_mem>>) src(%dma_wait3A_602 : memref<2x128xi32, #tpu.memory_space<hbm>>) dst(%dma_wait3A_600 : memref<2x128xi32, #tpu.memory_space<vmem>>)
      tpu.yield
    }) : () -> ()
    %dma_start3A_293 = arith.constant 1 : i32
    %dma_start3A_294 = arith.constant 0 : i32
    %dma_start3A_295 = arith.constant 256 : i32
    %dma_start3A_296 = arith.constant 0 : i32
    %dma_start3A_297 = tpu.memref_slice %arg6[%dma_start3A_295, %dma_start3A_296] : memref<1024x64xf32, #tpu.memory_space<vmem>> -> memref<128x64xf32, #tpu.memory_space<vmem>>
    %dma_start3A_298 = arith.constant 0 : i32
    %dma_start3A_299 = tpu.memref_slice %arg5[%dma_start3A_293, %dma_start3A_294, %dma_start3A_298] : memref<4x2x128xi32, #tpu.memory_space<vmem>> -> memref<1x1x128xi32, #tpu.memory_space<vmem>>
    %dma_start3A_300 = tpu.memref_squeeze %dma_start3A_299 : memref<1x1x128xi32, #tpu.memory_space<vmem>> -> memref<128xi32, #tpu.memory_space<vmem>>
    %dma_start3A_301 = arith.constant 0 : i32
    %dma_start3A_302 = arith.constant 0 : i32
    %dma_start3A_303 = tpu.memref_slice %arg7[%dma_start3A_301, %dma_start3A_302] : memref<1000x64xf32, #tpu.memory_space<vmem_shared>> -> memref<1000x64xf32, #tpu.memory_space<vmem_shared>>
    tpu.enqueue_indirect_dma source(%dma_start3A_303 : memref<1000x64xf32, #tpu.memory_space<vmem_shared>>) target(%dma_start3A_297 : memref<128x64xf32, #tpu.memory_space<vmem>>) offsets(%dma_start3A_300 : memref<128xi32, #tpu.memory_space<vmem>>) semaphore(%arg9 : memref<!tpu.dma_semaphore, #tpu.memory_space<semaphore_mem>>)
    %dma_start3A_304 = arith.constant 1 : i32
    %dma_start3A_305 = arith.constant 1 : i32
    %dma_start3A_306 = arith.constant 384 : i32
    %dma_start3A_307 = arith.constant 0 : i32
    %dma_start3A_308 = tpu.memref_slice %arg6[%dma_start3A_306, %dma_start3A_307] : memref<1024x64xf32, #tpu.memory_space<vmem>> -> memref<128x64xf32, #tpu.memory_space<vmem>>
    %dma_start3A_309 = arith.constant 0 : i32
    %dma_start3A_310 = tpu.memref_slice %arg5[%dma_start3A_304, %dma_start3A_305, %dma_start3A_309] : memref<4x2x128xi32, #tpu.memory_space<vmem>> -> memref<1x1x128xi32, #tpu.memory_space<vmem>>
    %dma_start3A_311 = tpu.memref_squeeze %dma_start3A_310 : memref<1x1x128xi32, #tpu.memory_space<vmem>> -> memref<128xi32, #tpu.memory_space<vmem>>
    %dma_start3A_312 = arith.constant 0 : i32
    %dma_start3A_313 = arith.constant 0 : i32
    %dma_start3A_314 = tpu.memref_slice %arg7[%dma_start3A_312, %dma_start3A_313] : memref<1000x64xf32, #tpu.memory_space<vmem_shared>> -> memref<1000x64xf32, #tpu.memory_space<vmem_shared>>
    tpu.enqueue_indirect_dma source(%dma_start3A_314 : memref<1000x64xf32, #tpu.memory_space<vmem_shared>>) target(%dma_start3A_308 : memref<128x64xf32, #tpu.memory_space<vmem>>) offsets(%dma_start3A_311 : memref<128xi32, #tpu.memory_space<vmem>>) semaphore(%arg9 : memref<!tpu.dma_semaphore, #tpu.memory_space<semaphore_mem>>)
    %scan3A = arith.constant 0 : i32
    %scan3A_315 = arith.constant 1 : i32
    %scan3A_316 = arith.constant 98 : i32
    %scan3A_317 = arith.addi %scan3A_315, %scan3A_316 : i32
    %scan3A_318 = arith.constant 1 : i32
    scf.for %scan3A_578 = %scan3A_315 to %scan3A_317 step %scan3A_318  : i32 {
      %mul3A_579 = arith.constant 4 : i32
      %mul3A_580 = arith.muli %scan3A_578, %mul3A_579 : i32
      %add3A_581 = arith.constant 0 : i32
      %add3A_582 = arith.addi %mul3A_580, %add3A_581 : i32
      %dma_wait3A_583 = arith.constant 0 : i32
      %dma_wait3A_584 = arith.constant 0 : i32
      %dma_wait3A_585 = arith.constant 0 : i32
      %dma_wait3A_586 = arith.constant 0 : i32
      %dma_wait3A_587 = tpu.memref_slice %arg6[%dma_wait3A_585, %dma_wait3A_586] : memref<1024x64xf32, #tpu.memory_space<vmem>> -> memref<128x64xf32, #tpu.memory_space<vmem>>
      %dma_wait3A_588 = arith.constant 0 : i32
      %dma_wait3A_589 = tpu.memref_slice %arg5[%dma_wait3A_583, %dma_wait3A_584, %dma_wait3A_588] : memref<4x2x128xi32, #tpu.memory_space<vmem>> -> memref<1x1x128xi32, #tpu.memory_space<vmem>>
      %dma_wait3A_590 = tpu.memref_squeeze %dma_wait3A_589 : memref<1x1x128xi32, #tpu.memory_space<vmem>> -> memref<128xi32, #tpu.memory_space<vmem>>
      %dma_wait3A_591 = arith.constant 0 : i32
      %dma_wait3A_592 = arith.constant 0 : i32
      %dma_wait3A_593 = tpu.memref_slice %arg7[%dma_wait3A_591, %dma_wait3A_592] : memref<1000x64xf32, #tpu.memory_space<vmem_shared>> -> memref<1000x64xf32, #tpu.memory_space<vmem_shared>>
      tpu.wait_indirect_dma semaphore(%arg8 : memref<!tpu.dma_semaphore, #tpu.memory_space<semaphore_mem>>) src(%dma_wait3A_593 : memref<1000x64xf32, #tpu.memory_space<vmem_shared>>) dst(%dma_wait3A_587 : memref<128x64xf32, #tpu.memory_space<vmem>>)
      %dma_wait3A_594 = arith.constant 0 : i32
      %dma_wait3A_595 = arith.constant 1 : i32
      %dma_wait3A_596 = arith.constant 128 : i32
      %dma_wait3A_597 = arith.constant 0 : i32
      %dma_wait3A_598 = tpu.memref_slice %arg6[%dma_wait3A_596, %dma_wait3A_597] : memref<1024x64xf32, #tpu.memory_space<vmem>> -> memref<128x64xf32, #tpu.memory_space<vmem>>
      %dma_wait3A_599 = arith.constant 0 : i32
      %dma_wait3A_600 = tpu.memref_slice %arg5[%dma_wait3A_594, %dma_wait3A_595, %dma_wait3A_599] : memref<4x2x128xi32, #tpu.memory_space<vmem>> -> memref<1x1x128xi32, #tpu.memory_space<vmem>>
      %dma_wait3A_601 = tpu.memref_squeeze %dma_wait3A_600 : memref<1x1x128xi32, #tpu.memory_space<vmem>> -> memref<128xi32, #tpu.memory_space<vmem>>
      %dma_wait3A_602 = arith.constant 0 : i32
      %dma_wait3A_603 = arith.constant 0 : i32
      %dma_wait3A_604 = tpu.memref_slice %arg7[%dma_wait3A_602, %dma_wait3A_603] : memref<1000x64xf32, #tpu.memory_space<vmem_shared>> -> memref<1000x64xf32, #tpu.memory_space<vmem_shared>>
      tpu.wait_indirect_dma semaphore(%arg8 : memref<!tpu.dma_semaphore, #tpu.memory_space<semaphore_mem>>) src(%dma_wait3A_604 : memref<1000x64xf32, #tpu.memory_space<vmem_shared>>) dst(%dma_wait3A_598 : memref<128x64xf32, #tpu.memory_space<vmem>>)
      %mul3A_605 = arith.constant 256 : i32
      %mul3A_606 = arith.muli %add3A_582, %mul3A_605 : i32
      %add3A_607 = arith.addi %multiple_of3A_7, %mul3A_606 : i32
      %dma_start3A_608 = arith.constant 0 : i32
      %dma_start3A_609 = arith.constant 0 : i32
      %dma_start3A_610 = tpu.memref_slice %arg6[%dma_start3A_608, %dma_start3A_609] : memref<1024x64xf32, #tpu.memory_space<vmem>> -> memref<256x64xf32, #tpu.memory_space<vmem>>
      %dma_start3A_611 = arith.constant 0 : i32
      %dma_start3A_612 = tpu.memref_slice %arg4[%add3A_607, %dma_start3A_611] : memref<3276800x64xf32, #tpu.memory_space<hbm>> -> memref<256x64xf32, #tpu.memory_space<hbm>>
      %dma_start3A_613 = arith.constant 0 : i32
      %dma_start3A_614 = tpu.memref_slice %arg4[%add3A_607, %dma_start3A_613] : memref<3276800x64xf32, #tpu.memory_space<hbm>> -> memref<256x64xf32, #tpu.memory_space<hbm>>
      %dma_start3A_615 = arith.constant 0 : i32
      %dma_start3A_616 = arith.constant 0 : i32
      %dma_start3A_617 = tpu.memref_slice %arg6[%dma_start3A_615, %dma_start3A_616] : memref<1024x64xf32, #tpu.memory_space<vmem>> -> memref<256x64xf32, #tpu.memory_space<vmem>>
      tpu.enqueue_dma source(%dma_start3A_617 : memref<256x64xf32, #tpu.memory_space<vmem>>) target(%dma_start3A_614 : memref<256x64xf32, #tpu.memory_space<hbm>>) target_semaphore(%arg12 : memref<!tpu.dma_semaphore, #tpu.memory_space<semaphore_mem>>)
      %sub3A = arith.constant 2 : i32
      %sub3A_618 = arith.subi %add3A_582, %sub3A : i32
      %mul3A_619 = arith.constant 256 : i32
      %mul3A_620 = arith.muli %sub3A_618, %mul3A_619 : i32
      %add3A_621 = arith.addi %multiple_of3A_7, %mul3A_620 : i32
      %dma_wait3A_622 = arith.constant 512 : i32
      %dma_wait3A_623 = arith.constant 0 : i32
      %dma_wait3A_624 = tpu.memref_slice %arg6[%dma_wait3A_622, %dma_wait3A_623] : memref<1024x64xf32, #tpu.memory_space<vmem>> -> memref<256x64xf32, #tpu.memory_space<vmem>>
      %dma_wait3A_625 = arith.constant 0 : i32
      %dma_wait3A_626 = tpu.memref_slice %arg4[%add3A_621, %dma_wait3A_625] : memref<3276800x64xf32, #tpu.memory_space<hbm>> -> memref<256x64xf32, #tpu.memory_space<hbm>>
      %dma_wait3A_627 = arith.constant 0 : i32
      %dma_wait3A_628 = tpu.memref_slice %arg4[%add3A_621, %dma_wait3A_627] : memref<3276800x64xf32, #tpu.memory_space<hbm>> -> memref<256x64xf32, #tpu.memory_space<hbm>>
      %dma_wait3A_629 = arith.constant 512 : i32
      %dma_wait3A_630 = arith.constant 0 : i32
      %dma_wait3A_631 = tpu.memref_slice %arg6[%dma_wait3A_629, %dma_wait3A_630] : memref<1024x64xf32, #tpu.memory_space<vmem>> -> memref<256x64xf32, #tpu.memory_space<vmem>>
      tpu.wait_dma2 semaphore(%arg14 : memref<!tpu.dma_semaphore, #tpu.memory_space<semaphore_mem>>) src(%dma_wait3A_631 : memref<256x64xf32, #tpu.memory_space<vmem>>) dst(%dma_wait3A_628 : memref<256x64xf32, #tpu.memory_space<hbm>>)
      %add3A_632 = arith.constant 2 : i32
      %add3A_633 = arith.addi %add3A_582, %add3A_632 : i32
      %mul3A_634 = arith.constant 2 : i32
      %mul3A_635 = arith.muli %add3A_633, %mul3A_634 : i32
      %add3A_636 = arith.addi %multiple_of3A, %mul3A_635 : i32
      %run_scoped3A_637 = arith.constant 2 : i32
      "tpu.region"() ({
        %run_scoped3A_906 = tpu.sem_alloc : memref<!tpu.dma_semaphore, #tpu.memory_space<semaphore_mem>>
        %dma_start3A_907 = arith.constant 0 : i32
        %dma_start3A_908 = arith.constant 0 : i32
        %dma_start3A_909 = tpu.memref_slice %arg5[%run_scoped3A_637, %dma_start3A_907, %dma_start3A_908] : memref<4x2x128xi32, #tpu.memory_space<vmem>> -> memref<1x2x128xi32, #tpu.memory_space<vmem>>
        %dma_start3A_910 = tpu.memref_squeeze %dma_start3A_909 : memref<1x2x128xi32, #tpu.memory_space<vmem>> -> memref<2x128xi32, #tpu.memory_space<vmem>>
        %dma_start3A_911 = arith.constant 0 : i32
        %dma_start3A_912 = tpu.memref_slice %arg3[%add3A_636, %dma_start3A_911] : memref<25600x128xi32, #tpu.memory_space<hbm>> -> memref<2x128xi32, #tpu.memory_space<hbm>>
        %dma_start3A_913 = arith.constant 0 : i32
        %dma_start3A_914 = arith.constant 0 : i32
        %dma_start3A_915 = tpu.memref_slice %arg5[%run_scoped3A_637, %dma_start3A_913, %dma_start3A_914] : memref<4x2x128xi32, #tpu.memory_space<vmem>> -> memref<1x2x128xi32, #tpu.memory_space<vmem>>
        %dma_start3A_916 = tpu.memref_squeeze %dma_start3A_915 : memref<1x2x128xi32, #tpu.memory_space<vmem>> -> memref<2x128xi32, #tpu.memory_space<vmem>>
        %dma_start3A_917 = arith.constant 0 : i32
        %dma_start3A_918 = tpu.memref_slice %arg3[%add3A_636, %dma_start3A_917] : memref<25600x128xi32, #tpu.memory_space<hbm>> -> memref<2x128xi32, #tpu.memory_space<hbm>>
        tpu.enqueue_dma source(%dma_start3A_918 : memref<2x128xi32, #tpu.memory_space<hbm>>) target(%dma_start3A_916 : memref<2x128xi32, #tpu.memory_space<vmem>>) target_semaphore(%run_scoped3A_906 : memref<!tpu.dma_semaphore, #tpu.memory_space<semaphore_mem>>)
        %dma_wait3A_919 = arith.constant 0 : i32
        %dma_wait3A_920 = arith.constant 0 : i32
        %dma_wait3A_921 = tpu.memref_slice %arg5[%run_scoped3A_637, %dma_wait3A_919, %dma_wait3A_920] : memref<4x2x128xi32, #tpu.memory_space<vmem>> -> memref<1x2x128xi32, #tpu.memory_space<vmem>>
        %dma_wait3A_922 = tpu.memref_squeeze %dma_wait3A_921 : memref<1x2x128xi32, #tpu.memory_space<vmem>> -> memref<2x128xi32, #tpu.memory_space<vmem>>
        %dma_wait3A_923 = arith.constant 0 : i32
        %dma_wait3A_924 = tpu.memref_slice %arg3[%add3A_636, %dma_wait3A_923] : memref<25600x128xi32, #tpu.memory_space<hbm>> -> memref<2x128xi32, #tpu.memory_space<hbm>>
        %dma_wait3A_925 = arith.constant 0 : i32
        %dma_wait3A_926 = arith.constant 0 : i32
        %dma_wait3A_927 = tpu.memref_slice %arg5[%run_scoped3A_637, %dma_wait3A_925, %dma_wait3A_926] : memref<4x2x128xi32, #tpu.memory_space<vmem>> -> memref<1x2x128xi32, #tpu.memory_space<vmem>>
        %dma_wait3A_928 = tpu.memref_squeeze %dma_wait3A_927 : memref<1x2x128xi32, #tpu.memory_space<vmem>> -> memref<2x128xi32, #tpu.memory_space<vmem>>
        %dma_wait3A_929 = arith.constant 0 : i32
        %dma_wait3A_930 = tpu.memref_slice %arg3[%add3A_636, %dma_wait3A_929] : memref<25600x128xi32, #tpu.memory_space<hbm>> -> memref<2x128xi32, #tpu.memory_space<hbm>>
        tpu.wait_dma2 semaphore(%run_scoped3A_906 : memref<!tpu.dma_semaphore, #tpu.memory_space<semaphore_mem>>) src(%dma_wait3A_930 : memref<2x128xi32, #tpu.memory_space<hbm>>) dst(%dma_wait3A_928 : memref<2x128xi32, #tpu.memory_space<vmem>>)
        tpu.yield
      }) : () -> ()
      %dma_start3A_638 = arith.constant 2 : i32
      %dma_start3A_639 = arith.constant 0 : i32
      %dma_start3A_640 = arith.constant 512 : i32
      %dma_start3A_641 = arith.constant 0 : i32
      %dma_start3A_642 = tpu.memref_slice %arg6[%dma_start3A_640, %dma_start3A_641] : memref<1024x64xf32, #tpu.memory_space<vmem>> -> memref<128x64xf32, #tpu.memory_space<vmem>>
      %dma_start3A_643 = arith.constant 0 : i32
      %dma_start3A_644 = tpu.memref_slice %arg5[%dma_start3A_638, %dma_start3A_639, %dma_start3A_643] : memref<4x2x128xi32, #tpu.memory_space<vmem>> -> memref<1x1x128xi32, #tpu.memory_space<vmem>>
      %dma_start3A_645 = tpu.memref_squeeze %dma_start3A_644 : memref<1x1x128xi32, #tpu.memory_space<vmem>> -> memref<128xi32, #tpu.memory_space<vmem>>
      %dma_start3A_646 = arith.constant 0 : i32
      %dma_start3A_647 = arith.constant 0 : i32
      %dma_start3A_648 = tpu.memref_slice %arg7[%dma_start3A_646, %dma_start3A_647] : memref<1000x64xf32, #tpu.memory_space<vmem_shared>> -> memref<1000x64xf32, #tpu.memory_space<vmem_shared>>
      tpu.enqueue_indirect_dma source(%dma_start3A_648 : memref<1000x64xf32, #tpu.memory_space<vmem_shared>>) target(%dma_start3A_642 : memref<128x64xf32, #tpu.memory_space<vmem>>) offsets(%dma_start3A_645 : memref<128xi32, #tpu.memory_space<vmem>>) semaphore(%arg10 : memref<!tpu.dma_semaphore, #tpu.memory_space<semaphore_mem>>)
      %dma_start3A_649 = arith.constant 2 : i32
      %dma_start3A_650 = arith.constant 1 : i32
      %dma_start3A_651 = arith.constant 640 : i32
      %dma_start3A_652 = arith.constant 0 : i32
      %dma_start3A_653 = tpu.memref_slice %arg6[%dma_start3A_651, %dma_start3A_652] : memref<1024x64xf32, #tpu.memory_space<vmem>> -> memref<128x64xf32, #tpu.memory_space<vmem>>
      %dma_start3A_654 = arith.constant 0 : i32
      %dma_start3A_655 = tpu.memref_slice %arg5[%dma_start3A_649, %dma_start3A_650, %dma_start3A_654] : memref<4x2x128xi32, #tpu.memory_space<vmem>> -> memref<1x1x128xi32, #tpu.memory_space<vmem>>
      %dma_start3A_656 = tpu.memref_squeeze %dma_start3A_655 : memref<1x1x128xi32, #tpu.memory_space<vmem>> -> memref<128xi32, #tpu.memory_space<vmem>>
      %dma_start3A_657 = arith.constant 0 : i32
      %dma_start3A_658 = arith.constant 0 : i32
      %dma_start3A_659 = tpu.memref_slice %arg7[%dma_start3A_657, %dma_start3A_658] : memref<1000x64xf32, #tpu.memory_space<vmem_shared>> -> memref<1000x64xf32, #tpu.memory_space<vmem_shared>>
      tpu.enqueue_indirect_dma source(%dma_start3A_659 : memref<1000x64xf32, #tpu.memory_space<vmem_shared>>) target(%dma_start3A_653 : memref<128x64xf32, #tpu.memory_space<vmem>>) offsets(%dma_start3A_656 : memref<128xi32, #tpu.memory_space<vmem>>) semaphore(%arg10 : memref<!tpu.dma_semaphore, #tpu.memory_space<semaphore_mem>>)
      %mul3A_660 = arith.constant 4 : i32
      %mul3A_661 = arith.muli %scan3A_578, %mul3A_660 : i32
      %add3A_662 = arith.constant 1 : i32
      %add3A_663 = arith.addi %mul3A_661, %add3A_662 : i32
      %dma_wait3A_664 = arith.constant 1 : i32
      %dma_wait3A_665 = arith.constant 0 : i32
      %dma_wait3A_666 = arith.constant 256 : i32
      %dma_wait3A_667 = arith.constant 0 : i32
      %dma_wait3A_668 = tpu.memref_slice %arg6[%dma_wait3A_666, %dma_wait3A_667] : memref<1024x64xf32, #tpu.memory_space<vmem>> -> memref<128x64xf32, #tpu.memory_space<vmem>>
      %dma_wait3A_669 = arith.constant 0 : i32
      %dma_wait3A_670 = tpu.memref_slice %arg5[%dma_wait3A_664, %dma_wait3A_665, %dma_wait3A_669] : memref<4x2x128xi32, #tpu.memory_space<vmem>> -> memref<1x1x128xi32, #tpu.memory_space<vmem>>
      %dma_wait3A_671 = tpu.memref_squeeze %dma_wait3A_670 : memref<1x1x128xi32, #tpu.memory_space<vmem>> -> memref<128xi32, #tpu.memory_space<vmem>>
      %dma_wait3A_672 = arith.constant 0 : i32
      %dma_wait3A_673 = arith.constant 0 : i32
      %dma_wait3A_674 = tpu.memref_slice %arg7[%dma_wait3A_672, %dma_wait3A_673] : memref<1000x64xf32, #tpu.memory_space<vmem_shared>> -> memref<1000x64xf32, #tpu.memory_space<vmem_shared>>
      tpu.wait_indirect_dma semaphore(%arg9 : memref<!tpu.dma_semaphore, #tpu.memory_space<semaphore_mem>>) src(%dma_wait3A_674 : memref<1000x64xf32, #tpu.memory_space<vmem_shared>>) dst(%dma_wait3A_668 : memref<128x64xf32, #tpu.memory_space<vmem>>)
      %dma_wait3A_675 = arith.constant 1 : i32
      %dma_wait3A_676 = arith.constant 1 : i32
      %dma_wait3A_677 = arith.constant 384 : i32
      %dma_wait3A_678 = arith.constant 0 : i32
      %dma_wait3A_679 = tpu.memref_slice %arg6[%dma_wait3A_677, %dma_wait3A_678] : memref<1024x64xf32, #tpu.memory_space<vmem>> -> memref<128x64xf32, #tpu.memory_space<vmem>>
      %dma_wait3A_680 = arith.constant 0 : i32
      %dma_wait3A_681 = tpu.memref_slice %arg5[%dma_wait3A_675, %dma_wait3A_676, %dma_wait3A_680] : memref<4x2x128xi32, #tpu.memory_space<vmem>> -> memref<1x1x128xi32, #tpu.memory_space<vmem>>
      %dma_wait3A_682 = tpu.memref_squeeze %dma_wait3A_681 : memref<1x1x128xi32, #tpu.memory_space<vmem>> -> memref<128xi32, #tpu.memory_space<vmem>>
      %dma_wait3A_683 = arith.constant 0 : i32
      %dma_wait3A_684 = arith.constant 0 : i32
      %dma_wait3A_685 = tpu.memref_slice %arg7[%dma_wait3A_683, %dma_wait3A_684] : memref<1000x64xf32, #tpu.memory_space<vmem_shared>> -> memref<1000x64xf32, #tpu.memory_space<vmem_shared>>
      tpu.wait_indirect_dma semaphore(%arg9 : memref<!tpu.dma_semaphore, #tpu.memory_space<semaphore_mem>>) src(%dma_wait3A_685 : memref<1000x64xf32, #tpu.memory_space<vmem_shared>>) dst(%dma_wait3A_679 : memref<128x64xf32, #tpu.memory_space<vmem>>)
      %mul3A_686 = arith.constant 256 : i32
      %mul3A_687 = arith.muli %add3A_663, %mul3A_686 : i32
      %add3A_688 = arith.addi %multiple_of3A_7, %mul3A_687 : i32
      %dma_start3A_689 = arith.constant 256 : i32
      %dma_start3A_690 = arith.constant 0 : i32
      %dma_start3A_691 = tpu.memref_slice %arg6[%dma_start3A_689, %dma_start3A_690] : memref<1024x64xf32, #tpu.memory_space<vmem>> -> memref<256x64xf32, #tpu.memory_space<vmem>>
      %dma_start3A_692 = arith.constant 0 : i32
      %dma_start3A_693 = tpu.memref_slice %arg4[%add3A_688, %dma_start3A_692] : memref<3276800x64xf32, #tpu.memory_space<hbm>> -> memref<256x64xf32, #tpu.memory_space<hbm>>
      %dma_start3A_694 = arith.constant 0 : i32
      %dma_start3A_695 = tpu.memref_slice %arg4[%add3A_688, %dma_start3A_694] : memref<3276800x64xf32, #tpu.memory_space<hbm>> -> memref<256x64xf32, #tpu.memory_space<hbm>>
      %dma_start3A_696 = arith.constant 256 : i32
      %dma_start3A_697 = arith.constant 0 : i32
      %dma_start3A_698 = tpu.memref_slice %arg6[%dma_start3A_696, %dma_start3A_697] : memref<1024x64xf32, #tpu.memory_space<vmem>> -> memref<256x64xf32, #tpu.memory_space<vmem>>
      tpu.enqueue_dma source(%dma_start3A_698 : memref<256x64xf32, #tpu.memory_space<vmem>>) target(%dma_start3A_695 : memref<256x64xf32, #tpu.memory_space<hbm>>) target_semaphore(%arg13 : memref<!tpu.dma_semaphore, #tpu.memory_space<semaphore_mem>>)
      %sub3A_699 = arith.constant 2 : i32
      %sub3A_700 = arith.subi %add3A_663, %sub3A_699 : i32
      %mul3A_701 = arith.constant 256 : i32
      %mul3A_702 = arith.muli %sub3A_700, %mul3A_701 : i32
      %add3A_703 = arith.addi %multiple_of3A_7, %mul3A_702 : i32
      %dma_wait3A_704 = arith.constant 768 : i32
      %dma_wait3A_705 = arith.constant 0 : i32
      %dma_wait3A_706 = tpu.memref_slice %arg6[%dma_wait3A_704, %dma_wait3A_705] : memref<1024x64xf32, #tpu.memory_space<vmem>> -> memref<256x64xf32, #tpu.memory_space<vmem>>
      %dma_wait3A_707 = arith.constant 0 : i32
      %dma_wait3A_708 = tpu.memref_slice %arg4[%add3A_703, %dma_wait3A_707] : memref<3276800x64xf32, #tpu.memory_space<hbm>> -> memref<256x64xf32, #tpu.memory_space<hbm>>
      %dma_wait3A_709 = arith.constant 0 : i32
      %dma_wait3A_710 = tpu.memref_slice %arg4[%add3A_703, %dma_wait3A_709] : memref<3276800x64xf32, #tpu.memory_space<hbm>> -> memref<256x64xf32, #tpu.memory_space<hbm>>
      %dma_wait3A_711 = arith.constant 768 : i32
      %dma_wait3A_712 = arith.constant 0 : i32
      %dma_wait3A_713 = tpu.memref_slice %arg6[%dma_wait3A_711, %dma_wait3A_712] : memref<1024x64xf32, #tpu.memory_space<vmem>> -> memref<256x64xf32, #tpu.memory_space<vmem>>
      tpu.wait_dma2 semaphore(%arg15 : memref<!tpu.dma_semaphore, #tpu.memory_space<semaphore_mem>>) src(%dma_wait3A_713 : memref<256x64xf32, #tpu.memory_space<vmem>>) dst(%dma_wait3A_710 : memref<256x64xf32, #tpu.memory_space<hbm>>)
      %add3A_714 = arith.constant 2 : i32
      %add3A_715 = arith.addi %add3A_663, %add3A_714 : i32
      %mul3A_716 = arith.constant 2 : i32
      %mul3A_717 = arith.muli %add3A_715, %mul3A_716 : i32
      %add3A_718 = arith.addi %multiple_of3A, %mul3A_717 : i32
      %run_scoped3A_719 = arith.constant 3 : i32
      "tpu.region"() ({
        %run_scoped3A_906 = tpu.sem_alloc : memref<!tpu.dma_semaphore, #tpu.memory_space<semaphore_mem>>
        %dma_start3A_907 = arith.constant 0 : i32
        %dma_start3A_908 = arith.constant 0 : i32
        %dma_start3A_909 = tpu.memref_slice %arg5[%run_scoped3A_719, %dma_start3A_907, %dma_start3A_908] : memref<4x2x128xi32, #tpu.memory_space<vmem>> -> memref<1x2x128xi32, #tpu.memory_space<vmem>>
        %dma_start3A_910 = tpu.memref_squeeze %dma_start3A_909 : memref<1x2x128xi32, #tpu.memory_space<vmem>> -> memref<2x128xi32, #tpu.memory_space<vmem>>
        %dma_start3A_911 = arith.constant 0 : i32
        %dma_start3A_912 = tpu.memref_slice %arg3[%add3A_718, %dma_start3A_911] : memref<25600x128xi32, #tpu.memory_space<hbm>> -> memref<2x128xi32, #tpu.memory_space<hbm>>
        %dma_start3A_913 = arith.constant 0 : i32
        %dma_start3A_914 = arith.constant 0 : i32
        %dma_start3A_915 = tpu.memref_slice %arg5[%run_scoped3A_719, %dma_start3A_913, %dma_start3A_914] : memref<4x2x128xi32, #tpu.memory_space<vmem>> -> memref<1x2x128xi32, #tpu.memory_space<vmem>>
        %dma_start3A_916 = tpu.memref_squeeze %dma_start3A_915 : memref<1x2x128xi32, #tpu.memory_space<vmem>> -> memref<2x128xi32, #tpu.memory_space<vmem>>
        %dma_start3A_917 = arith.constant 0 : i32
        %dma_start3A_918 = tpu.memref_slice %arg3[%add3A_718, %dma_start3A_917] : memref<25600x128xi32, #tpu.memory_space<hbm>> -> memref<2x128xi32, #tpu.memory_space<hbm>>
        tpu.enqueue_dma source(%dma_start3A_918 : memref<2x128xi32, #tpu.memory_space<hbm>>) target(%dma_start3A_916 : memref<2x128xi32, #tpu.memory_space<vmem>>) target_semaphore(%run_scoped3A_906 : memref<!tpu.dma_semaphore, #tpu.memory_space<semaphore_mem>>)
        %dma_wait3A_919 = arith.constant 0 : i32
        %dma_wait3A_920 = arith.constant 0 : i32
        %dma_wait3A_921 = tpu.memref_slice %arg5[%run_scoped3A_719, %dma_wait3A_919, %dma_wait3A_920] : memref<4x2x128xi32, #tpu.memory_space<vmem>> -> memref<1x2x128xi32, #tpu.memory_space<vmem>>
        %dma_wait3A_922 = tpu.memref_squeeze %dma_wait3A_921 : memref<1x2x128xi32, #tpu.memory_space<vmem>> -> memref<2x128xi32, #tpu.memory_space<vmem>>
        %dma_wait3A_923 = arith.constant 0 : i32
        %dma_wait3A_924 = tpu.memref_slice %arg3[%add3A_718, %dma_wait3A_923] : memref<25600x128xi32, #tpu.memory_space<hbm>> -> memref<2x128xi32, #tpu.memory_space<hbm>>
        %dma_wait3A_925 = arith.constant 0 : i32
        %dma_wait3A_926 = arith.constant 0 : i32
        %dma_wait3A_927 = tpu.memref_slice %arg5[%run_scoped3A_719, %dma_wait3A_925, %dma_wait3A_926] : memref<4x2x128xi32, #tpu.memory_space<vmem>> -> memref<1x2x128xi32, #tpu.memory_space<vmem>>
        %dma_wait3A_928 = tpu.memref_squeeze %dma_wait3A_927 : memref<1x2x128xi32, #tpu.memory_space<vmem>> -> memref<2x128xi32, #tpu.memory_space<vmem>>
        %dma_wait3A_929 = arith.constant 0 : i32
        %dma_wait3A_930 = tpu.memref_slice %arg3[%add3A_718, %dma_wait3A_929] : memref<25600x128xi32, #tpu.memory_space<hbm>> -> memref<2x128xi32, #tpu.memory_space<hbm>>
        tpu.wait_dma2 semaphore(%run_scoped3A_906 : memref<!tpu.dma_semaphore, #tpu.memory_space<semaphore_mem>>) src(%dma_wait3A_930 : memref<2x128xi32, #tpu.memory_space<hbm>>) dst(%dma_wait3A_928 : memref<2x128xi32, #tpu.memory_space<vmem>>)
        tpu.yield
      }) : () -> ()
      %dma_start3A_720 = arith.constant 3 : i32
      %dma_start3A_721 = arith.constant 0 : i32
      %dma_start3A_722 = arith.constant 768 : i32
      %dma_start3A_723 = arith.constant 0 : i32
      %dma_start3A_724 = tpu.memref_slice %arg6[%dma_start3A_722, %dma_start3A_723] : memref<1024x64xf32, #tpu.memory_space<vmem>> -> memref<128x64xf32, #tpu.memory_space<vmem>>
      %dma_start3A_725 = arith.constant 0 : i32
      %dma_start3A_726 = tpu.memref_slice %arg5[%dma_start3A_720, %dma_start3A_721, %dma_start3A_725] : memref<4x2x128xi32, #tpu.memory_space<vmem>> -> memref<1x1x128xi32, #tpu.memory_space<vmem>>
      %dma_start3A_727 = tpu.memref_squeeze %dma_start3A_726 : memref<1x1x128xi32, #tpu.memory_space<vmem>> -> memref<128xi32, #tpu.memory_space<vmem>>
      %dma_start3A_728 = arith.constant 0 : i32
      %dma_start3A_729 = arith.constant 0 : i32
      %dma_start3A_730 = tpu.memref_slice %arg7[%dma_start3A_728, %dma_start3A_729] : memref<1000x64xf32, #tpu.memory_space<vmem_shared>> -> memref<1000x64xf32, #tpu.memory_space<vmem_shared>>
      tpu.enqueue_indirect_dma source(%dma_start3A_730 : memref<1000x64xf32, #tpu.memory_space<vmem_shared>>) target(%dma_start3A_724 : memref<128x64xf32, #tpu.memory_space<vmem>>) offsets(%dma_start3A_727 : memref<128xi32, #tpu.memory_space<vmem>>) semaphore(%arg11 : memref<!tpu.dma_semaphore, #tpu.memory_space<semaphore_mem>>)
      %dma_start3A_731 = arith.constant 3 : i32
      %dma_start3A_732 = arith.constant 1 : i32
      %dma_start3A_733 = arith.constant 896 : i32
      %dma_start3A_734 = arith.constant 0 : i32
      %dma_start3A_735 = tpu.memref_slice %arg6[%dma_start3A_733, %dma_start3A_734] : memref<1024x64xf32, #tpu.memory_space<vmem>> -> memref<128x64xf32, #tpu.memory_space<vmem>>
      %dma_start3A_736 = arith.constant 0 : i32
      %dma_start3A_737 = tpu.memref_slice %arg5[%dma_start3A_731, %dma_start3A_732, %dma_start3A_736] : memref<4x2x128xi32, #tpu.memory_space<vmem>> -> memref<1x1x128xi32, #tpu.memory_space<vmem>>
      %dma_start3A_738 = tpu.memref_squeeze %dma_start3A_737 : memref<1x1x128xi32, #tpu.memory_space<vmem>> -> memref<128xi32, #tpu.memory_space<vmem>>
      %dma_start3A_739 = arith.constant 0 : i32
      %dma_start3A_740 = arith.constant 0 : i32
      %dma_start3A_741 = tpu.memref_slice %arg7[%dma_start3A_739, %dma_start3A_740] : memref<1000x64xf32, #tpu.memory_space<vmem_shared>> -> memref<1000x64xf32, #tpu.memory_space<vmem_shared>>
      tpu.enqueue_indirect_dma source(%dma_start3A_741 : memref<1000x64xf32, #tpu.memory_space<vmem_shared>>) target(%dma_start3A_735 : memref<128x64xf32, #tpu.memory_space<vmem>>) offsets(%dma_start3A_738 : memref<128xi32, #tpu.memory_space<vmem>>) semaphore(%arg11 : memref<!tpu.dma_semaphore, #tpu.memory_space<semaphore_mem>>)
      %mul3A_742 = arith.constant 4 : i32
      %mul3A_743 = arith.muli %scan3A_578, %mul3A_742 : i32
      %add3A_744 = arith.constant 2 : i32
      %add3A_745 = arith.addi %mul3A_743, %add3A_744 : i32
      %dma_wait3A_746 = arith.constant 2 : i32
      %dma_wait3A_747 = arith.constant 0 : i32
      %dma_wait3A_748 = arith.constant 512 : i32
      %dma_wait3A_749 = arith.constant 0 : i32
      %dma_wait3A_750 = tpu.memref_slice %arg6[%dma_wait3A_748, %dma_wait3A_749] : memref<1024x64xf32, #tpu.memory_space<vmem>> -> memref<128x64xf32, #tpu.memory_space<vmem>>
      %dma_wait3A_751 = arith.constant 0 : i32
      %dma_wait3A_752 = tpu.memref_slice %arg5[%dma_wait3A_746, %dma_wait3A_747, %dma_wait3A_751] : memref<4x2x128xi32, #tpu.memory_space<vmem>> -> memref<1x1x128xi32, #tpu.memory_space<vmem>>
      %dma_wait3A_753 = tpu.memref_squeeze %dma_wait3A_752 : memref<1x1x128xi32, #tpu.memory_space<vmem>> -> memref<128xi32, #tpu.memory_space<vmem>>
      %dma_wait3A_754 = arith.constant 0 : i32
      %dma_wait3A_755 = arith.constant 0 : i32
      %dma_wait3A_756 = tpu.memref_slice %arg7[%dma_wait3A_754, %dma_wait3A_755] : memref<1000x64xf32, #tpu.memory_space<vmem_shared>> -> memref<1000x64xf32, #tpu.memory_space<vmem_shared>>
      tpu.wait_indirect_dma semaphore(%arg10 : memref<!tpu.dma_semaphore, #tpu.memory_space<semaphore_mem>>) src(%dma_wait3A_756 : memref<1000x64xf32, #tpu.memory_space<vmem_shared>>) dst(%dma_wait3A_750 : memref<128x64xf32, #tpu.memory_space<vmem>>)
      %dma_wait3A_757 = arith.constant 2 : i32
      %dma_wait3A_758 = arith.constant 1 : i32
      %dma_wait3A_759 = arith.constant 640 : i32
      %dma_wait3A_760 = arith.constant 0 : i32
      %dma_wait3A_761 = tpu.memref_slice %arg6[%dma_wait3A_759, %dma_wait3A_760] : memref<1024x64xf32, #tpu.memory_space<vmem>> -> memref<128x64xf32, #tpu.memory_space<vmem>>
      %dma_wait3A_762 = arith.constant 0 : i32
      %dma_wait3A_763 = tpu.memref_slice %arg5[%dma_wait3A_757, %dma_wait3A_758, %dma_wait3A_762] : memref<4x2x128xi32, #tpu.memory_space<vmem>> -> memref<1x1x128xi32, #tpu.memory_space<vmem>>
      %dma_wait3A_764 = tpu.memref_squeeze %dma_wait3A_763 : memref<1x1x128xi32, #tpu.memory_space<vmem>> -> memref<128xi32, #tpu.memory_space<vmem>>
      %dma_wait3A_765 = arith.constant 0 : i32
      %dma_wait3A_766 = arith.constant 0 : i32
      %dma_wait3A_767 = tpu.memref_slice %arg7[%dma_wait3A_765, %dma_wait3A_766] : memref<1000x64xf32, #tpu.memory_space<vmem_shared>> -> memref<1000x64xf32, #tpu.memory_space<vmem_shared>>
      tpu.wait_indirect_dma semaphore(%arg10 : memref<!tpu.dma_semaphore, #tpu.memory_space<semaphore_mem>>) src(%dma_wait3A_767 : memref<1000x64xf32, #tpu.memory_space<vmem_shared>>) dst(%dma_wait3A_761 : memref<128x64xf32, #tpu.memory_space<vmem>>)
      %mul3A_768 = arith.constant 256 : i32
      %mul3A_769 = arith.muli %add3A_745, %mul3A_768 : i32
      %add3A_770 = arith.addi %multiple_of3A_7, %mul3A_769 : i32
      %dma_start3A_771 = arith.constant 512 : i32
      %dma_start3A_772 = arith.constant 0 : i32
      %dma_start3A_773 = tpu.memref_slice %arg6[%dma_start3A_771, %dma_start3A_772] : memref<1024x64xf32, #tpu.memory_space<vmem>> -> memref<256x64xf32, #tpu.memory_space<vmem>>
      %dma_start3A_774 = arith.constant 0 : i32
      %dma_start3A_775 = tpu.memref_slice %arg4[%add3A_770, %dma_start3A_774] : memref<3276800x64xf32, #tpu.memory_space<hbm>> -> memref<256x64xf32, #tpu.memory_space<hbm>>
      %dma_start3A_776 = arith.constant 0 : i32
      %dma_start3A_777 = tpu.memref_slice %arg4[%add3A_770, %dma_start3A_776] : memref<3276800x64xf32, #tpu.memory_space<hbm>> -> memref<256x64xf32, #tpu.memory_space<hbm>>
      %dma_start3A_778 = arith.constant 512 : i32
      %dma_start3A_779 = arith.constant 0 : i32
      %dma_start3A_780 = tpu.memref_slice %arg6[%dma_start3A_778, %dma_start3A_779] : memref<1024x64xf32, #tpu.memory_space<vmem>> -> memref<256x64xf32, #tpu.memory_space<vmem>>
      tpu.enqueue_dma source(%dma_start3A_780 : memref<256x64xf32, #tpu.memory_space<vmem>>) target(%dma_start3A_777 : memref<256x64xf32, #tpu.memory_space<hbm>>) target_semaphore(%arg14 : memref<!tpu.dma_semaphore, #tpu.memory_space<semaphore_mem>>)
      %sub3A_781 = arith.constant 2 : i32
      %sub3A_782 = arith.subi %add3A_745, %sub3A_781 : i32
      %mul3A_783 = arith.constant 256 : i32
      %mul3A_784 = arith.muli %sub3A_782, %mul3A_783 : i32
      %add3A_785 = arith.addi %multiple_of3A_7, %mul3A_784 : i32
      %dma_wait3A_786 = arith.constant 0 : i32
      %dma_wait3A_787 = arith.constant 0 : i32
      %dma_wait3A_788 = tpu.memref_slice %arg6[%dma_wait3A_786, %dma_wait3A_787] : memref<1024x64xf32, #tpu.memory_space<vmem>> -> memref<256x64xf32, #tpu.memory_space<vmem>>
      %dma_wait3A_789 = arith.constant 0 : i32
      %dma_wait3A_790 = tpu.memref_slice %arg4[%add3A_785, %dma_wait3A_789] : memref<3276800x64xf32, #tpu.memory_space<hbm>> -> memref<256x64xf32, #tpu.memory_space<hbm>>
      %dma_wait3A_791 = arith.constant 0 : i32
      %dma_wait3A_792 = tpu.memref_slice %arg4[%add3A_785, %dma_wait3A_791] : memref<3276800x64xf32, #tpu.memory_space<hbm>> -> memref<256x64xf32, #tpu.memory_space<hbm>>
      %dma_wait3A_793 = arith.constant 0 : i32
      %dma_wait3A_794 = arith.constant 0 : i32
      %dma_wait3A_795 = tpu.memref_slice %arg6[%dma_wait3A_793, %dma_wait3A_794] : memref<1024x64xf32, #tpu.memory_space<vmem>> -> memref<256x64xf32, #tpu.memory_space<vmem>>
      tpu.wait_dma2 semaphore(%arg12 : memref<!tpu.dma_semaphore, #tpu.memory_space<semaphore_mem>>) src(%dma_wait3A_795 : memref<256x64xf32, #tpu.memory_space<vmem>>) dst(%dma_wait3A_792 : memref<256x64xf32, #tpu.memory_space<hbm>>)
      %add3A_796 = arith.constant 2 : i32
      %add3A_797 = arith.addi %add3A_745, %add3A_796 : i32
      %mul3A_798 = arith.constant 2 : i32
      %mul3A_799 = arith.muli %add3A_797, %mul3A_798 : i32
      %add3A_800 = arith.addi %multiple_of3A, %mul3A_799 : i32
      %run_scoped3A_801 = arith.constant 0 : i32
      "tpu.region"() ({
        %run_scoped3A_906 = tpu.sem_alloc : memref<!tpu.dma_semaphore, #tpu.memory_space<semaphore_mem>>
        %dma_start3A_907 = arith.constant 0 : i32
        %dma_start3A_908 = arith.constant 0 : i32
        %dma_start3A_909 = tpu.memref_slice %arg5[%run_scoped3A_801, %dma_start3A_907, %dma_start3A_908] : memref<4x2x128xi32, #tpu.memory_space<vmem>> -> memref<1x2x128xi32, #tpu.memory_space<vmem>>
        %dma_start3A_910 = tpu.memref_squeeze %dma_start3A_909 : memref<1x2x128xi32, #tpu.memory_space<vmem>> -> memref<2x128xi32, #tpu.memory_space<vmem>>
        %dma_start3A_911 = arith.constant 0 : i32
        %dma_start3A_912 = tpu.memref_slice %arg3[%add3A_800, %dma_start3A_911] : memref<25600x128xi32, #tpu.memory_space<hbm>> -> memref<2x128xi32, #tpu.memory_space<hbm>>
        %dma_start3A_913 = arith.constant 0 : i32
        %dma_start3A_914 = arith.constant 0 : i32
        %dma_start3A_915 = tpu.memref_slice %arg5[%run_scoped3A_801, %dma_start3A_913, %dma_start3A_914] : memref<4x2x128xi32, #tpu.memory_space<vmem>> -> memref<1x2x128xi32, #tpu.memory_space<vmem>>
        %dma_start3A_916 = tpu.memref_squeeze %dma_start3A_915 : memref<1x2x128xi32, #tpu.memory_space<vmem>> -> memref<2x128xi32, #tpu.memory_space<vmem>>
        %dma_start3A_917 = arith.constant 0 : i32
        %dma_start3A_918 = tpu.memref_slice %arg3[%add3A_800, %dma_start3A_917] : memref<25600x128xi32, #tpu.memory_space<hbm>> -> memref<2x128xi32, #tpu.memory_space<hbm>>
        tpu.enqueue_dma source(%dma_start3A_918 : memref<2x128xi32, #tpu.memory_space<hbm>>) target(%dma_start3A_916 : memref<2x128xi32, #tpu.memory_space<vmem>>) target_semaphore(%run_scoped3A_906 : memref<!tpu.dma_semaphore, #tpu.memory_space<semaphore_mem>>)
        %dma_wait3A_919 = arith.constant 0 : i32
        %dma_wait3A_920 = arith.constant 0 : i32
        %dma_wait3A_921 = tpu.memref_slice %arg5[%run_scoped3A_801, %dma_wait3A_919, %dma_wait3A_920] : memref<4x2x128xi32, #tpu.memory_space<vmem>> -> memref<1x2x128xi32, #tpu.memory_space<vmem>>
        %dma_wait3A_922 = tpu.memref_squeeze %dma_wait3A_921 : memref<1x2x128xi32, #tpu.memory_space<vmem>> -> memref<2x128xi32, #tpu.memory_space<vmem>>
        %dma_wait3A_923 = arith.constant 0 : i32
        %dma_wait3A_924 = tpu.memref_slice %arg3[%add3A_800, %dma_wait3A_923] : memref<25600x128xi32, #tpu.memory_space<hbm>> -> memref<2x128xi32, #tpu.memory_space<hbm>>
        %dma_wait3A_925 = arith.constant 0 : i32
        %dma_wait3A_926 = arith.constant 0 : i32
        %dma_wait3A_927 = tpu.memref_slice %arg5[%run_scoped3A_801, %dma_wait3A_925, %dma_wait3A_926] : memref<4x2x128xi32, #tpu.memory_space<vmem>> -> memref<1x2x128xi32, #tpu.memory_space<vmem>>
        %dma_wait3A_928 = tpu.memref_squeeze %dma_wait3A_927 : memref<1x2x128xi32, #tpu.memory_space<vmem>> -> memref<2x128xi32, #tpu.memory_space<vmem>>
        %dma_wait3A_929 = arith.constant 0 : i32
        %dma_wait3A_930 = tpu.memref_slice %arg3[%add3A_800, %dma_wait3A_929] : memref<25600x128xi32, #tpu.memory_space<hbm>> -> memref<2x128xi32, #tpu.memory_space<hbm>>
        tpu.wait_dma2 semaphore(%run_scoped3A_906 : memref<!tpu.dma_semaphore, #tpu.memory_space<semaphore_mem>>) src(%dma_wait3A_930 : memref<2x128xi32, #tpu.memory_space<hbm>>) dst(%dma_wait3A_928 : memref<2x128xi32, #tpu.memory_space<vmem>>)
        tpu.yield
      }) : () -> ()
      %dma_start3A_802 = arith.constant 0 : i32
      %dma_start3A_803 = arith.constant 0 : i32
      %dma_start3A_804 = arith.constant 0 : i32
      %dma_start3A_805 = arith.constant 0 : i32
      %dma_start3A_806 = tpu.memref_slice %arg6[%dma_start3A_804, %dma_start3A_805] : memref<1024x64xf32, #tpu.memory_space<vmem>> -> memref<128x64xf32, #tpu.memory_space<vmem>>
      %dma_start3A_807 = arith.constant 0 : i32
      %dma_start3A_808 = tpu.memref_slice %arg5[%dma_start3A_802, %dma_start3A_803, %dma_start3A_807] : memref<4x2x128xi32, #tpu.memory_space<vmem>> -> memref<1x1x128xi32, #tpu.memory_space<vmem>>
      %dma_start3A_809 = tpu.memref_squeeze %dma_start3A_808 : memref<1x1x128xi32, #tpu.memory_space<vmem>> -> memref<128xi32, #tpu.memory_space<vmem>>
      %dma_start3A_810 = arith.constant 0 : i32
      %dma_start3A_811 = arith.constant 0 : i32
      %dma_start3A_812 = tpu.memref_slice %arg7[%dma_start3A_810, %dma_start3A_811] : memref<1000x64xf32, #tpu.memory_space<vmem_shared>> -> memref<1000x64xf32, #tpu.memory_space<vmem_shared>>
      tpu.enqueue_indirect_dma source(%dma_start3A_812 : memref<1000x64xf32, #tpu.memory_space<vmem_shared>>) target(%dma_start3A_806 : memref<128x64xf32, #tpu.memory_space<vmem>>) offsets(%dma_start3A_809 : memref<128xi32, #tpu.memory_space<vmem>>) semaphore(%arg8 : memref<!tpu.dma_semaphore, #tpu.memory_space<semaphore_mem>>)
      %dma_start3A_813 = arith.constant 0 : i32
      %dma_start3A_814 = arith.constant 1 : i32
      %dma_start3A_815 = arith.constant 128 : i32
      %dma_start3A_816 = arith.constant 0 : i32
      %dma_start3A_817 = tpu.memref_slice %arg6[%dma_start3A_815, %dma_start3A_816] : memref<1024x64xf32, #tpu.memory_space<vmem>> -> memref<128x64xf32, #tpu.memory_space<vmem>>
      %dma_start3A_818 = arith.constant 0 : i32
      %dma_start3A_819 = tpu.memref_slice %arg5[%dma_start3A_813, %dma_start3A_814, %dma_start3A_818] : memref<4x2x128xi32, #tpu.memory_space<vmem>> -> memref<1x1x128xi32, #tpu.memory_space<vmem>>
      %dma_start3A_820 = tpu.memref_squeeze %dma_start3A_819 : memref<1x1x128xi32, #tpu.memory_space<vmem>> -> memref<128xi32, #tpu.memory_space<vmem>>
      %dma_start3A_821 = arith.constant 0 : i32
      %dma_start3A_822 = arith.constant 0 : i32
      %dma_start3A_823 = tpu.memref_slice %arg7[%dma_start3A_821, %dma_start3A_822] : memref<1000x64xf32, #tpu.memory_space<vmem_shared>> -> memref<1000x64xf32, #tpu.memory_space<vmem_shared>>
      tpu.enqueue_indirect_dma source(%dma_start3A_823 : memref<1000x64xf32, #tpu.memory_space<vmem_shared>>) target(%dma_start3A_817 : memref<128x64xf32, #tpu.memory_space<vmem>>) offsets(%dma_start3A_820 : memref<128xi32, #tpu.memory_space<vmem>>) semaphore(%arg8 : memref<!tpu.dma_semaphore, #tpu.memory_space<semaphore_mem>>)
      %mul3A_824 = arith.constant 4 : i32
      %mul3A_825 = arith.muli %scan3A_578, %mul3A_824 : i32
      %add3A_826 = arith.constant 3 : i32
      %add3A_827 = arith.addi %mul3A_825, %add3A_826 : i32
      %dma_wait3A_828 = arith.constant 3 : i32
      %dma_wait3A_829 = arith.constant 0 : i32
      %dma_wait3A_830 = arith.constant 768 : i32
      %dma_wait3A_831 = arith.constant 0 : i32
      %dma_wait3A_832 = tpu.memref_slice %arg6[%dma_wait3A_830, %dma_wait3A_831] : memref<1024x64xf32, #tpu.memory_space<vmem>> -> memref<128x64xf32, #tpu.memory_space<vmem>>
      %dma_wait3A_833 = arith.constant 0 : i32
      %dma_wait3A_834 = tpu.memref_slice %arg5[%dma_wait3A_828, %dma_wait3A_829, %dma_wait3A_833] : memref<4x2x128xi32, #tpu.memory_space<vmem>> -> memref<1x1x128xi32, #tpu.memory_space<vmem>>
      %dma_wait3A_835 = tpu.memref_squeeze %dma_wait3A_834 : memref<1x1x128xi32, #tpu.memory_space<vmem>> -> memref<128xi32, #tpu.memory_space<vmem>>
      %dma_wait3A_836 = arith.constant 0 : i32
      %dma_wait3A_837 = arith.constant 0 : i32
      %dma_wait3A_838 = tpu.memref_slice %arg7[%dma_wait3A_836, %dma_wait3A_837] : memref<1000x64xf32, #tpu.memory_space<vmem_shared>> -> memref<1000x64xf32, #tpu.memory_space<vmem_shared>>
      tpu.wait_indirect_dma semaphore(%arg11 : memref<!tpu.dma_semaphore, #tpu.memory_space<semaphore_mem>>) src(%dma_wait3A_838 : memref<1000x64xf32, #tpu.memory_space<vmem_shared>>) dst(%dma_wait3A_832 : memref<128x64xf32, #tpu.memory_space<vmem>>)
      %dma_wait3A_839 = arith.constant 3 : i32
      %dma_wait3A_840 = arith.constant 1 : i32
      %dma_wait3A_841 = arith.constant 896 : i32
      %dma_wait3A_842 = arith.constant 0 : i32
      %dma_wait3A_843 = tpu.memref_slice %arg6[%dma_wait3A_841, %dma_wait3A_842] : memref<1024x64xf32, #tpu.memory_space<vmem>> -> memref<128x64xf32, #tpu.memory_space<vmem>>
      %dma_wait3A_844 = arith.constant 0 : i32
      %dma_wait3A_845 = tpu.memref_slice %arg5[%dma_wait3A_839, %dma_wait3A_840, %dma_wait3A_844] : memref<4x2x128xi32, #tpu.memory_space<vmem>> -> memref<1x1x128xi32, #tpu.memory_space<vmem>>
      %dma_wait3A_846 = tpu.memref_squeeze %dma_wait3A_845 : memref<1x1x128xi32, #tpu.memory_space<vmem>> -> memref<128xi32, #tpu.memory_space<vmem>>
      %dma_wait3A_847 = arith.constant 0 : i32
      %dma_wait3A_848 = arith.constant 0 : i32
      %dma_wait3A_849 = tpu.memref_slice %arg7[%dma_wait3A_847, %dma_wait3A_848] : memref<1000x64xf32, #tpu.memory_space<vmem_shared>> -> memref<1000x64xf32, #tpu.memory_space<vmem_shared>>
      tpu.wait_indirect_dma semaphore(%arg11 : memref<!tpu.dma_semaphore, #tpu.memory_space<semaphore_mem>>) src(%dma_wait3A_849 : memref<1000x64xf32, #tpu.memory_space<vmem_shared>>) dst(%dma_wait3A_843 : memref<128x64xf32, #tpu.memory_space<vmem>>)
      %mul3A_850 = arith.constant 256 : i32
      %mul3A_851 = arith.muli %add3A_827, %mul3A_850 : i32
      %add3A_852 = arith.addi %multiple_of3A_7, %mul3A_851 : i32
      %dma_start3A_853 = arith.constant 768 : i32
      %dma_start3A_854 = arith.constant 0 : i32
      %dma_start3A_855 = tpu.memref_slice %arg6[%dma_start3A_853, %dma_start3A_854] : memref<1024x64xf32, #tpu.memory_space<vmem>> -> memref<256x64xf32, #tpu.memory_space<vmem>>
      %dma_start3A_856 = arith.constant 0 : i32
      %dma_start3A_857 = tpu.memref_slice %arg4[%add3A_852, %dma_start3A_856] : memref<3276800x64xf32, #tpu.memory_space<hbm>> -> memref<256x64xf32, #tpu.memory_space<hbm>>
      %dma_start3A_858 = arith.constant 0 : i32
      %dma_start3A_859 = tpu.memref_slice %arg4[%add3A_852, %dma_start3A_858] : memref<3276800x64xf32, #tpu.memory_space<hbm>> -> memref<256x64xf32, #tpu.memory_space<hbm>>
      %dma_start3A_860 = arith.constant 768 : i32
      %dma_start3A_861 = arith.constant 0 : i32
      %dma_start3A_862 = tpu.memref_slice %arg6[%dma_start3A_860, %dma_start3A_861] : memref<1024x64xf32, #tpu.memory_space<vmem>> -> memref<256x64xf32, #tpu.memory_space<vmem>>
      tpu.enqueue_dma source(%dma_start3A_862 : memref<256x64xf32, #tpu.memory_space<vmem>>) target(%dma_start3A_859 : memref<256x64xf32, #tpu.memory_space<hbm>>) target_semaphore(%arg15 : memref<!tpu.dma_semaphore, #tpu.memory_space<semaphore_mem>>)
      %sub3A_863 = arith.constant 2 : i32
      %sub3A_864 = arith.subi %add3A_827, %sub3A_863 : i32
      %mul3A_865 = arith.constant 256 : i32
      %mul3A_866 = arith.muli %sub3A_864, %mul3A_865 : i32
      %add3A_867 = arith.addi %multiple_of3A_7, %mul3A_866 : i32
      %dma_wait3A_868 = arith.constant 256 : i32
      %dma_wait3A_869 = arith.constant 0 : i32
      %dma_wait3A_870 = tpu.memref_slice %arg6[%dma_wait3A_868, %dma_wait3A_869] : memref<1024x64xf32, #tpu.memory_space<vmem>> -> memref<256x64xf32, #tpu.memory_space<vmem>>
      %dma_wait3A_871 = arith.constant 0 : i32
      %dma_wait3A_872 = tpu.memref_slice %arg4[%add3A_867, %dma_wait3A_871] : memref<3276800x64xf32, #tpu.memory_space<hbm>> -> memref<256x64xf32, #tpu.memory_space<hbm>>
      %dma_wait3A_873 = arith.constant 0 : i32
      %dma_wait3A_874 = tpu.memref_slice %arg4[%add3A_867, %dma_wait3A_873] : memref<3276800x64xf32, #tpu.memory_space<hbm>> -> memref<256x64xf32, #tpu.memory_space<hbm>>
      %dma_wait3A_875 = arith.constant 256 : i32
      %dma_wait3A_876 = arith.constant 0 : i32
      %dma_wait3A_877 = tpu.memref_slice %arg6[%dma_wait3A_875, %dma_wait3A_876] : memref<1024x64xf32, #tpu.memory_space<vmem>> -> memref<256x64xf32, #tpu.memory_space<vmem>>
      tpu.wait_dma2 semaphore(%arg13 : memref<!tpu.dma_semaphore, #tpu.memory_space<semaphore_mem>>) src(%dma_wait3A_877 : memref<256x64xf32, #tpu.memory_space<vmem>>) dst(%dma_wait3A_874 : memref<256x64xf32, #tpu.memory_space<hbm>>)
      %add3A_878 = arith.constant 2 : i32
      %add3A_879 = arith.addi %add3A_827, %add3A_878 : i32
      %mul3A_880 = arith.constant 2 : i32
      %mul3A_881 = arith.muli %add3A_879, %mul3A_880 : i32
      %add3A_882 = arith.addi %multiple_of3A, %mul3A_881 : i32
      %run_scoped3A_883 = arith.constant 1 : i32
      "tpu.region"() ({
        %run_scoped3A_906 = tpu.sem_alloc : memref<!tpu.dma_semaphore, #tpu.memory_space<semaphore_mem>>
        %dma_start3A_907 = arith.constant 0 : i32
        %dma_start3A_908 = arith.constant 0 : i32
        %dma_start3A_909 = tpu.memref_slice %arg5[%run_scoped3A_883, %dma_start3A_907, %dma_start3A_908] : memref<4x2x128xi32, #tpu.memory_space<vmem>> -> memref<1x2x128xi32, #tpu.memory_space<vmem>>
        %dma_start3A_910 = tpu.memref_squeeze %dma_start3A_909 : memref<1x2x128xi32, #tpu.memory_space<vmem>> -> memref<2x128xi32, #tpu.memory_space<vmem>>
        %dma_start3A_911 = arith.constant 0 : i32
        %dma_start3A_912 = tpu.memref_slice %arg3[%add3A_882, %dma_start3A_911] : memref<25600x128xi32, #tpu.memory_space<hbm>> -> memref<2x128xi32, #tpu.memory_space<hbm>>
        %dma_start3A_913 = arith.constant 0 : i32
        %dma_start3A_914 = arith.constant 0 : i32
        %dma_start3A_915 = tpu.memref_slice %arg5[%run_scoped3A_883, %dma_start3A_913, %dma_start3A_914] : memref<4x2x128xi32, #tpu.memory_space<vmem>> -> memref<1x2x128xi32, #tpu.memory_space<vmem>>
        %dma_start3A_916 = tpu.memref_squeeze %dma_start3A_915 : memref<1x2x128xi32, #tpu.memory_space<vmem>> -> memref<2x128xi32, #tpu.memory_space<vmem>>
        %dma_start3A_917 = arith.constant 0 : i32
        %dma_start3A_918 = tpu.memref_slice %arg3[%add3A_882, %dma_start3A_917] : memref<25600x128xi32, #tpu.memory_space<hbm>> -> memref<2x128xi32, #tpu.memory_space<hbm>>
        tpu.enqueue_dma source(%dma_start3A_918 : memref<2x128xi32, #tpu.memory_space<hbm>>) target(%dma_start3A_916 : memref<2x128xi32, #tpu.memory_space<vmem>>) target_semaphore(%run_scoped3A_906 : memref<!tpu.dma_semaphore, #tpu.memory_space<semaphore_mem>>)
        %dma_wait3A_919 = arith.constant 0 : i32
        %dma_wait3A_920 = arith.constant 0 : i32
        %dma_wait3A_921 = tpu.memref_slice %arg5[%run_scoped3A_883, %dma_wait3A_919, %dma_wait3A_920] : memref<4x2x128xi32, #tpu.memory_space<vmem>> -> memref<1x2x128xi32, #tpu.memory_space<vmem>>
        %dma_wait3A_922 = tpu.memref_squeeze %dma_wait3A_921 : memref<1x2x128xi32, #tpu.memory_space<vmem>> -> memref<2x128xi32, #tpu.memory_space<vmem>>
        %dma_wait3A_923 = arith.constant 0 : i32
        %dma_wait3A_924 = tpu.memref_slice %arg3[%add3A_882, %dma_wait3A_923] : memref<25600x128xi32, #tpu.memory_space<hbm>> -> memref<2x128xi32, #tpu.memory_space<hbm>>
        %dma_wait3A_925 = arith.constant 0 : i32
        %dma_wait3A_926 = arith.constant 0 : i32
        %dma_wait3A_927 = tpu.memref_slice %arg5[%run_scoped3A_883, %dma_wait3A_925, %dma_wait3A_926] : memref<4x2x128xi32, #tpu.memory_space<vmem>> -> memref<1x2x128xi32, #tpu.memory_space<vmem>>
        %dma_wait3A_928 = tpu.memref_squeeze %dma_wait3A_927 : memref<1x2x128xi32, #tpu.memory_space<vmem>> -> memref<2x128xi32, #tpu.memory_space<vmem>>
        %dma_wait3A_929 = arith.constant 0 : i32
        %dma_wait3A_930 = tpu.memref_slice %arg3[%add3A_882, %dma_wait3A_929] : memref<25600x128xi32, #tpu.memory_space<hbm>> -> memref<2x128xi32, #tpu.memory_space<hbm>>
        tpu.wait_dma2 semaphore(%run_scoped3A_906 : memref<!tpu.dma_semaphore, #tpu.memory_space<semaphore_mem>>) src(%dma_wait3A_930 : memref<2x128xi32, #tpu.memory_space<hbm>>) dst(%dma_wait3A_928 : memref<2x128xi32, #tpu.memory_space<vmem>>)
        tpu.yield
      }) : () -> ()
      %dma_start3A_884 = arith.constant 1 : i32
      %dma_start3A_885 = arith.constant 0 : i32
      %dma_start3A_886 = arith.constant 256 : i32
      %dma_start3A_887 = arith.constant 0 : i32
      %dma_start3A_888 = tpu.memref_slice %arg6[%dma_start3A_886, %dma_start3A_887] : memref<1024x64xf32, #tpu.memory_space<vmem>> -> memref<128x64xf32, #tpu.memory_space<vmem>>
      %dma_start3A_889 = arith.constant 0 : i32
      %dma_start3A_890 = tpu.memref_slice %arg5[%dma_start3A_884, %dma_start3A_885, %dma_start3A_889] : memref<4x2x128xi32, #tpu.memory_space<vmem>> -> memref<1x1x128xi32, #tpu.memory_space<vmem>>
      %dma_start3A_891 = tpu.memref_squeeze %dma_start3A_890 : memref<1x1x128xi32, #tpu.memory_space<vmem>> -> memref<128xi32, #tpu.memory_space<vmem>>
      %dma_start3A_892 = arith.constant 0 : i32
      %dma_start3A_893 = arith.constant 0 : i32
      %dma_start3A_894 = tpu.memref_slice %arg7[%dma_start3A_892, %dma_start3A_893] : memref<1000x64xf32, #tpu.memory_space<vmem_shared>> -> memref<1000x64xf32, #tpu.memory_space<vmem_shared>>
      tpu.enqueue_indirect_dma source(%dma_start3A_894 : memref<1000x64xf32, #tpu.memory_space<vmem_shared>>) target(%dma_start3A_888 : memref<128x64xf32, #tpu.memory_space<vmem>>) offsets(%dma_start3A_891 : memref<128xi32, #tpu.memory_space<vmem>>) semaphore(%arg9 : memref<!tpu.dma_semaphore, #tpu.memory_space<semaphore_mem>>)
      %dma_start3A_895 = arith.constant 1 : i32
      %dma_start3A_896 = arith.constant 1 : i32
      %dma_start3A_897 = arith.constant 384 : i32
      %dma_start3A_898 = arith.constant 0 : i32
      %dma_start3A_899 = tpu.memref_slice %arg6[%dma_start3A_897, %dma_start3A_898] : memref<1024x64xf32, #tpu.memory_space<vmem>> -> memref<128x64xf32, #tpu.memory_space<vmem>>
      %dma_start3A_900 = arith.constant 0 : i32
      %dma_start3A_901 = tpu.memref_slice %arg5[%dma_start3A_895, %dma_start3A_896, %dma_start3A_900] : memref<4x2x128xi32, #tpu.memory_space<vmem>> -> memref<1x1x128xi32, #tpu.memory_space<vmem>>
      %dma_start3A_902 = tpu.memref_squeeze %dma_start3A_901 : memref<1x1x128xi32, #tpu.memory_space<vmem>> -> memref<128xi32, #tpu.memory_space<vmem>>
      %dma_start3A_903 = arith.constant 0 : i32
      %dma_start3A_904 = arith.constant 0 : i32
      %dma_start3A_905 = tpu.memref_slice %arg7[%dma_start3A_903, %dma_start3A_904] : memref<1000x64xf32, #tpu.memory_space<vmem_shared>> -> memref<1000x64xf32, #tpu.memory_space<vmem_shared>>
      tpu.enqueue_indirect_dma source(%dma_start3A_905 : memref<1000x64xf32, #tpu.memory_space<vmem_shared>>) target(%dma_start3A_899 : memref<128x64xf32, #tpu.memory_space<vmem>>) offsets(%dma_start3A_902 : memref<128xi32, #tpu.memory_space<vmem>>) semaphore(%arg9 : memref<!tpu.dma_semaphore, #tpu.memory_space<semaphore_mem>>)
    }
    %scan3A_319 = arith.constant 98 : i32
    %dma_wait3A_320 = arith.constant 0 : i32
    %dma_wait3A_321 = arith.constant 0 : i32
    %dma_wait3A_322 = arith.constant 0 : i32
    %dma_wait3A_323 = arith.constant 0 : i32
    %dma_wait3A_324 = tpu.memref_slice %arg6[%dma_wait3A_322, %dma_wait3A_323] : memref<1024x64xf32, #tpu.memory_space<vmem>> -> memref<128x64xf32, #tpu.memory_space<vmem>>
    %dma_wait3A_325 = arith.constant 0 : i32
    %dma_wait3A_326 = tpu.memref_slice %arg5[%dma_wait3A_320, %dma_wait3A_321, %dma_wait3A_325] : memref<4x2x128xi32, #tpu.memory_space<vmem>> -> memref<1x1x128xi32, #tpu.memory_space<vmem>>
    %dma_wait3A_327 = tpu.memref_squeeze %dma_wait3A_326 : memref<1x1x128xi32, #tpu.memory_space<vmem>> -> memref<128xi32, #tpu.memory_space<vmem>>
    %dma_wait3A_328 = arith.constant 0 : i32
    %dma_wait3A_329 = arith.constant 0 : i32
    %dma_wait3A_330 = tpu.memref_slice %arg7[%dma_wait3A_328, %dma_wait3A_329] : memref<1000x64xf32, #tpu.memory_space<vmem_shared>> -> memref<1000x64xf32, #tpu.memory_space<vmem_shared>>
    tpu.wait_indirect_dma semaphore(%arg8 : memref<!tpu.dma_semaphore, #tpu.memory_space<semaphore_mem>>) src(%dma_wait3A_330 : memref<1000x64xf32, #tpu.memory_space<vmem_shared>>) dst(%dma_wait3A_324 : memref<128x64xf32, #tpu.memory_space<vmem>>)
    %dma_wait3A_331 = arith.constant 0 : i32
    %dma_wait3A_332 = arith.constant 1 : i32
    %dma_wait3A_333 = arith.constant 128 : i32
    %dma_wait3A_334 = arith.constant 0 : i32
    %dma_wait3A_335 = tpu.memref_slice %arg6[%dma_wait3A_333, %dma_wait3A_334] : memref<1024x64xf32, #tpu.memory_space<vmem>> -> memref<128x64xf32, #tpu.memory_space<vmem>>
    %dma_wait3A_336 = arith.constant 0 : i32
    %dma_wait3A_337 = tpu.memref_slice %arg5[%dma_wait3A_331, %dma_wait3A_332, %dma_wait3A_336] : memref<4x2x128xi32, #tpu.memory_space<vmem>> -> memref<1x1x128xi32, #tpu.memory_space<vmem>>
    %dma_wait3A_338 = tpu.memref_squeeze %dma_wait3A_337 : memref<1x1x128xi32, #tpu.memory_space<vmem>> -> memref<128xi32, #tpu.memory_space<vmem>>
    %dma_wait3A_339 = arith.constant 0 : i32
    %dma_wait3A_340 = arith.constant 0 : i32
    %dma_wait3A_341 = tpu.memref_slice %arg7[%dma_wait3A_339, %dma_wait3A_340] : memref<1000x64xf32, #tpu.memory_space<vmem_shared>> -> memref<1000x64xf32, #tpu.memory_space<vmem_shared>>
    tpu.wait_indirect_dma semaphore(%arg8 : memref<!tpu.dma_semaphore, #tpu.memory_space<semaphore_mem>>) src(%dma_wait3A_341 : memref<1000x64xf32, #tpu.memory_space<vmem_shared>>) dst(%dma_wait3A_335 : memref<128x64xf32, #tpu.memory_space<vmem>>)
    %add3A_342 = arith.constant 101376 : i32
    %add3A_343 = arith.addi %multiple_of3A_7, %add3A_342 : i32
    %dma_start3A_344 = arith.constant 0 : i32
    %dma_start3A_345 = arith.constant 0 : i32
    %dma_start3A_346 = tpu.memref_slice %arg6[%dma_start3A_344, %dma_start3A_345] : memref<1024x64xf32, #tpu.memory_space<vmem>> -> memref<256x64xf32, #tpu.memory_space<vmem>>
    %dma_start3A_347 = arith.constant 0 : i32
    %dma_start3A_348 = tpu.memref_slice %arg4[%add3A_343, %dma_start3A_347] : memref<3276800x64xf32, #tpu.memory_space<hbm>> -> memref<256x64xf32, #tpu.memory_space<hbm>>
    %dma_start3A_349 = arith.constant 0 : i32
    %dma_start3A_350 = tpu.memref_slice %arg4[%add3A_343, %dma_start3A_349] : memref<3276800x64xf32, #tpu.memory_space<hbm>> -> memref<256x64xf32, #tpu.memory_space<hbm>>
    %dma_start3A_351 = arith.constant 0 : i32
    %dma_start3A_352 = arith.constant 0 : i32
    %dma_start3A_353 = tpu.memref_slice %arg6[%dma_start3A_351, %dma_start3A_352] : memref<1024x64xf32, #tpu.memory_space<vmem>> -> memref<256x64xf32, #tpu.memory_space<vmem>>
    tpu.enqueue_dma source(%dma_start3A_353 : memref<256x64xf32, #tpu.memory_space<vmem>>) target(%dma_start3A_350 : memref<256x64xf32, #tpu.memory_space<hbm>>) target_semaphore(%arg12 : memref<!tpu.dma_semaphore, #tpu.memory_space<semaphore_mem>>)
    %add3A_354 = arith.constant 100864 : i32
    %add3A_355 = arith.addi %multiple_of3A_7, %add3A_354 : i32
    %dma_wait3A_356 = arith.constant 512 : i32
    %dma_wait3A_357 = arith.constant 0 : i32
    %dma_wait3A_358 = tpu.memref_slice %arg6[%dma_wait3A_356, %dma_wait3A_357] : memref<1024x64xf32, #tpu.memory_space<vmem>> -> memref<256x64xf32, #tpu.memory_space<vmem>>
    %dma_wait3A_359 = arith.constant 0 : i32
    %dma_wait3A_360 = tpu.memref_slice %arg4[%add3A_355, %dma_wait3A_359] : memref<3276800x64xf32, #tpu.memory_space<hbm>> -> memref<256x64xf32, #tpu.memory_space<hbm>>
    %dma_wait3A_361 = arith.constant 0 : i32
    %dma_wait3A_362 = tpu.memref_slice %arg4[%add3A_355, %dma_wait3A_361] : memref<3276800x64xf32, #tpu.memory_space<hbm>> -> memref<256x64xf32, #tpu.memory_space<hbm>>
    %dma_wait3A_363 = arith.constant 512 : i32
    %dma_wait3A_364 = arith.constant 0 : i32
    %dma_wait3A_365 = tpu.memref_slice %arg6[%dma_wait3A_363, %dma_wait3A_364] : memref<1024x64xf32, #tpu.memory_space<vmem>> -> memref<256x64xf32, #tpu.memory_space<vmem>>
    tpu.wait_dma2 semaphore(%arg14 : memref<!tpu.dma_semaphore, #tpu.memory_space<semaphore_mem>>) src(%dma_wait3A_365 : memref<256x64xf32, #tpu.memory_space<vmem>>) dst(%dma_wait3A_362 : memref<256x64xf32, #tpu.memory_space<hbm>>)
    %add3A_366 = arith.constant 796 : i32
    %add3A_367 = arith.addi %multiple_of3A, %add3A_366 : i32
    %run_scoped3A_368 = arith.constant 2 : i32
    "tpu.region"() ({
      %run_scoped3A_578 = tpu.sem_alloc : memref<!tpu.dma_semaphore, #tpu.memory_space<semaphore_mem>>
      %dma_start3A_579 = arith.constant 0 : i32
      %dma_start3A_580 = arith.constant 0 : i32
      %dma_start3A_581 = tpu.memref_slice %arg5[%run_scoped3A_368, %dma_start3A_579, %dma_start3A_580] : memref<4x2x128xi32, #tpu.memory_space<vmem>> -> memref<1x2x128xi32, #tpu.memory_space<vmem>>
      %dma_start3A_582 = tpu.memref_squeeze %dma_start3A_581 : memref<1x2x128xi32, #tpu.memory_space<vmem>> -> memref<2x128xi32, #tpu.memory_space<vmem>>
      %dma_start3A_583 = arith.constant 0 : i32
      %dma_start3A_584 = tpu.memref_slice %arg3[%add3A_367, %dma_start3A_583] : memref<25600x128xi32, #tpu.memory_space<hbm>> -> memref<2x128xi32, #tpu.memory_space<hbm>>
      %dma_start3A_585 = arith.constant 0 : i32
      %dma_start3A_586 = arith.constant 0 : i32
      %dma_start3A_587 = tpu.memref_slice %arg5[%run_scoped3A_368, %dma_start3A_585, %dma_start3A_586] : memref<4x2x128xi32, #tpu.memory_space<vmem>> -> memref<1x2x128xi32, #tpu.memory_space<vmem>>
      %dma_start3A_588 = tpu.memref_squeeze %dma_start3A_587 : memref<1x2x128xi32, #tpu.memory_space<vmem>> -> memref<2x128xi32, #tpu.memory_space<vmem>>
      %dma_start3A_589 = arith.constant 0 : i32
      %dma_start3A_590 = tpu.memref_slice %arg3[%add3A_367, %dma_start3A_589] : memref<25600x128xi32, #tpu.memory_space<hbm>> -> memref<2x128xi32, #tpu.memory_space<hbm>>
      tpu.enqueue_dma source(%dma_start3A_590 : memref<2x128xi32, #tpu.memory_space<hbm>>) target(%dma_start3A_588 : memref<2x128xi32, #tpu.memory_space<vmem>>) target_semaphore(%run_scoped3A_578 : memref<!tpu.dma_semaphore, #tpu.memory_space<semaphore_mem>>)
      %dma_wait3A_591 = arith.constant 0 : i32
      %dma_wait3A_592 = arith.constant 0 : i32
      %dma_wait3A_593 = tpu.memref_slice %arg5[%run_scoped3A_368, %dma_wait3A_591, %dma_wait3A_592] : memref<4x2x128xi32, #tpu.memory_space<vmem>> -> memref<1x2x128xi32, #tpu.memory_space<vmem>>
      %dma_wait3A_594 = tpu.memref_squeeze %dma_wait3A_593 : memref<1x2x128xi32, #tpu.memory_space<vmem>> -> memref<2x128xi32, #tpu.memory_space<vmem>>
      %dma_wait3A_595 = arith.constant 0 : i32
      %dma_wait3A_596 = tpu.memref_slice %arg3[%add3A_367, %dma_wait3A_595] : memref<25600x128xi32, #tpu.memory_space<hbm>> -> memref<2x128xi32, #tpu.memory_space<hbm>>
      %dma_wait3A_597 = arith.constant 0 : i32
      %dma_wait3A_598 = arith.constant 0 : i32
      %dma_wait3A_599 = tpu.memref_slice %arg5[%run_scoped3A_368, %dma_wait3A_597, %dma_wait3A_598] : memref<4x2x128xi32, #tpu.memory_space<vmem>> -> memref<1x2x128xi32, #tpu.memory_space<vmem>>
      %dma_wait3A_600 = tpu.memref_squeeze %dma_wait3A_599 : memref<1x2x128xi32, #tpu.memory_space<vmem>> -> memref<2x128xi32, #tpu.memory_space<vmem>>
      %dma_wait3A_601 = arith.constant 0 : i32
      %dma_wait3A_602 = tpu.memref_slice %arg3[%add3A_367, %dma_wait3A_601] : memref<25600x128xi32, #tpu.memory_space<hbm>> -> memref<2x128xi32, #tpu.memory_space<hbm>>
      tpu.wait_dma2 semaphore(%run_scoped3A_578 : memref<!tpu.dma_semaphore, #tpu.memory_space<semaphore_mem>>) src(%dma_wait3A_602 : memref<2x128xi32, #tpu.memory_space<hbm>>) dst(%dma_wait3A_600 : memref<2x128xi32, #tpu.memory_space<vmem>>)
      tpu.yield
    }) : () -> ()
    %dma_start3A_369 = arith.constant 2 : i32
    %dma_start3A_370 = arith.constant 0 : i32
    %dma_start3A_371 = arith.constant 512 : i32
    %dma_start3A_372 = arith.constant 0 : i32
    %dma_start3A_373 = tpu.memref_slice %arg6[%dma_start3A_371, %dma_start3A_372] : memref<1024x64xf32, #tpu.memory_space<vmem>> -> memref<128x64xf32, #tpu.memory_space<vmem>>
    %dma_start3A_374 = arith.constant 0 : i32
    %dma_start3A_375 = tpu.memref_slice %arg5[%dma_start3A_369, %dma_start3A_370, %dma_start3A_374] : memref<4x2x128xi32, #tpu.memory_space<vmem>> -> memref<1x1x128xi32, #tpu.memory_space<vmem>>
    %dma_start3A_376 = tpu.memref_squeeze %dma_start3A_375 : memref<1x1x128xi32, #tpu.memory_space<vmem>> -> memref<128xi32, #tpu.memory_space<vmem>>
    %dma_start3A_377 = arith.constant 0 : i32
    %dma_start3A_378 = arith.constant 0 : i32
    %dma_start3A_379 = tpu.memref_slice %arg7[%dma_start3A_377, %dma_start3A_378] : memref<1000x64xf32, #tpu.memory_space<vmem_shared>> -> memref<1000x64xf32, #tpu.memory_space<vmem_shared>>
    tpu.enqueue_indirect_dma source(%dma_start3A_379 : memref<1000x64xf32, #tpu.memory_space<vmem_shared>>) target(%dma_start3A_373 : memref<128x64xf32, #tpu.memory_space<vmem>>) offsets(%dma_start3A_376 : memref<128xi32, #tpu.memory_space<vmem>>) semaphore(%arg10 : memref<!tpu.dma_semaphore, #tpu.memory_space<semaphore_mem>>)
    %dma_start3A_380 = arith.constant 2 : i32
    %dma_start3A_381 = arith.constant 1 : i32
    %dma_start3A_382 = arith.constant 640 : i32
    %dma_start3A_383 = arith.constant 0 : i32
    %dma_start3A_384 = tpu.memref_slice %arg6[%dma_start3A_382, %dma_start3A_383] : memref<1024x64xf32, #tpu.memory_space<vmem>> -> memref<128x64xf32, #tpu.memory_space<vmem>>
    %dma_start3A_385 = arith.constant 0 : i32
    %dma_start3A_386 = tpu.memref_slice %arg5[%dma_start3A_380, %dma_start3A_381, %dma_start3A_385] : memref<4x2x128xi32, #tpu.memory_space<vmem>> -> memref<1x1x128xi32, #tpu.memory_space<vmem>>
    %dma_start3A_387 = tpu.memref_squeeze %dma_start3A_386 : memref<1x1x128xi32, #tpu.memory_space<vmem>> -> memref<128xi32, #tpu.memory_space<vmem>>
    %dma_start3A_388 = arith.constant 0 : i32
    %dma_start3A_389 = arith.constant 0 : i32
    %dma_start3A_390 = tpu.memref_slice %arg7[%dma_start3A_388, %dma_start3A_389] : memref<1000x64xf32, #tpu.memory_space<vmem_shared>> -> memref<1000x64xf32, #tpu.memory_space<vmem_shared>>
    tpu.enqueue_indirect_dma source(%dma_start3A_390 : memref<1000x64xf32, #tpu.memory_space<vmem_shared>>) target(%dma_start3A_384 : memref<128x64xf32, #tpu.memory_space<vmem>>) offsets(%dma_start3A_387 : memref<128xi32, #tpu.memory_space<vmem>>) semaphore(%arg10 : memref<!tpu.dma_semaphore, #tpu.memory_space<semaphore_mem>>)
    %dma_wait3A_391 = arith.constant 1 : i32
    %dma_wait3A_392 = arith.constant 0 : i32
    %dma_wait3A_393 = arith.constant 256 : i32
    %dma_wait3A_394 = arith.constant 0 : i32
    %dma_wait3A_395 = tpu.memref_slice %arg6[%dma_wait3A_393, %dma_wait3A_394] : memref<1024x64xf32, #tpu.memory_space<vmem>> -> memref<128x64xf32, #tpu.memory_space<vmem>>
    %dma_wait3A_396 = arith.constant 0 : i32
    %dma_wait3A_397 = tpu.memref_slice %arg5[%dma_wait3A_391, %dma_wait3A_392, %dma_wait3A_396] : memref<4x2x128xi32, #tpu.memory_space<vmem>> -> memref<1x1x128xi32, #tpu.memory_space<vmem>>
    %dma_wait3A_398 = tpu.memref_squeeze %dma_wait3A_397 : memref<1x1x128xi32, #tpu.memory_space<vmem>> -> memref<128xi32, #tpu.memory_space<vmem>>
    %dma_wait3A_399 = arith.constant 0 : i32
    %dma_wait3A_400 = arith.constant 0 : i32
    %dma_wait3A_401 = tpu.memref_slice %arg7[%dma_wait3A_399, %dma_wait3A_400] : memref<1000x64xf32, #tpu.memory_space<vmem_shared>> -> memref<1000x64xf32, #tpu.memory_space<vmem_shared>>
    tpu.wait_indirect_dma semaphore(%arg9 : memref<!tpu.dma_semaphore, #tpu.memory_space<semaphore_mem>>) src(%dma_wait3A_401 : memref<1000x64xf32, #tpu.memory_space<vmem_shared>>) dst(%dma_wait3A_395 : memref<128x64xf32, #tpu.memory_space<vmem>>)
    %dma_wait3A_402 = arith.constant 1 : i32
    %dma_wait3A_403 = arith.constant 1 : i32
    %dma_wait3A_404 = arith.constant 384 : i32
    %dma_wait3A_405 = arith.constant 0 : i32
    %dma_wait3A_406 = tpu.memref_slice %arg6[%dma_wait3A_404, %dma_wait3A_405] : memref<1024x64xf32, #tpu.memory_space<vmem>> -> memref<128x64xf32, #tpu.memory_space<vmem>>
    %dma_wait3A_407 = arith.constant 0 : i32
    %dma_wait3A_408 = tpu.memref_slice %arg5[%dma_wait3A_402, %dma_wait3A_403, %dma_wait3A_407] : memref<4x2x128xi32, #tpu.memory_space<vmem>> -> memref<1x1x128xi32, #tpu.memory_space<vmem>>
    %dma_wait3A_409 = tpu.memref_squeeze %dma_wait3A_408 : memref<1x1x128xi32, #tpu.memory_space<vmem>> -> memref<128xi32, #tpu.memory_space<vmem>>
    %dma_wait3A_410 = arith.constant 0 : i32
    %dma_wait3A_411 = arith.constant 0 : i32
    %dma_wait3A_412 = tpu.memref_slice %arg7[%dma_wait3A_410, %dma_wait3A_411] : memref<1000x64xf32, #tpu.memory_space<vmem_shared>> -> memref<1000x64xf32, #tpu.memory_space<vmem_shared>>
    tpu.wait_indirect_dma semaphore(%arg9 : memref<!tpu.dma_semaphore, #tpu.memory_space<semaphore_mem>>) src(%dma_wait3A_412 : memref<1000x64xf32, #tpu.memory_space<vmem_shared>>) dst(%dma_wait3A_406 : memref<128x64xf32, #tpu.memory_space<vmem>>)
    %add3A_413 = arith.constant 101632 : i32
    %add3A_414 = arith.addi %multiple_of3A_7, %add3A_413 : i32
    %dma_start3A_415 = arith.constant 256 : i32
    %dma_start3A_416 = arith.constant 0 : i32
    %dma_start3A_417 = tpu.memref_slice %arg6[%dma_start3A_415, %dma_start3A_416] : memref<1024x64xf32, #tpu.memory_space<vmem>> -> memref<256x64xf32, #tpu.memory_space<vmem>>
    %dma_start3A_418 = arith.constant 0 : i32
    %dma_start3A_419 = tpu.memref_slice %arg4[%add3A_414, %dma_start3A_418] : memref<3276800x64xf32, #tpu.memory_space<hbm>> -> memref<256x64xf32, #tpu.memory_space<hbm>>
    %dma_start3A_420 = arith.constant 0 : i32
    %dma_start3A_421 = tpu.memref_slice %arg4[%add3A_414, %dma_start3A_420] : memref<3276800x64xf32, #tpu.memory_space<hbm>> -> memref<256x64xf32, #tpu.memory_space<hbm>>
    %dma_start3A_422 = arith.constant 256 : i32
    %dma_start3A_423 = arith.constant 0 : i32
    %dma_start3A_424 = tpu.memref_slice %arg6[%dma_start3A_422, %dma_start3A_423] : memref<1024x64xf32, #tpu.memory_space<vmem>> -> memref<256x64xf32, #tpu.memory_space<vmem>>
    tpu.enqueue_dma source(%dma_start3A_424 : memref<256x64xf32, #tpu.memory_space<vmem>>) target(%dma_start3A_421 : memref<256x64xf32, #tpu.memory_space<hbm>>) target_semaphore(%arg13 : memref<!tpu.dma_semaphore, #tpu.memory_space<semaphore_mem>>)
    %add3A_425 = arith.constant 101120 : i32
    %add3A_426 = arith.addi %multiple_of3A_7, %add3A_425 : i32
    %dma_wait3A_427 = arith.constant 768 : i32
    %dma_wait3A_428 = arith.constant 0 : i32
    %dma_wait3A_429 = tpu.memref_slice %arg6[%dma_wait3A_427, %dma_wait3A_428] : memref<1024x64xf32, #tpu.memory_space<vmem>> -> memref<256x64xf32, #tpu.memory_space<vmem>>
    %dma_wait3A_430 = arith.constant 0 : i32
    %dma_wait3A_431 = tpu.memref_slice %arg4[%add3A_426, %dma_wait3A_430] : memref<3276800x64xf32, #tpu.memory_space<hbm>> -> memref<256x64xf32, #tpu.memory_space<hbm>>
    %dma_wait3A_432 = arith.constant 0 : i32
    %dma_wait3A_433 = tpu.memref_slice %arg4[%add3A_426, %dma_wait3A_432] : memref<3276800x64xf32, #tpu.memory_space<hbm>> -> memref<256x64xf32, #tpu.memory_space<hbm>>
    %dma_wait3A_434 = arith.constant 768 : i32
    %dma_wait3A_435 = arith.constant 0 : i32
    %dma_wait3A_436 = tpu.memref_slice %arg6[%dma_wait3A_434, %dma_wait3A_435] : memref<1024x64xf32, #tpu.memory_space<vmem>> -> memref<256x64xf32, #tpu.memory_space<vmem>>
    tpu.wait_dma2 semaphore(%arg15 : memref<!tpu.dma_semaphore, #tpu.memory_space<semaphore_mem>>) src(%dma_wait3A_436 : memref<256x64xf32, #tpu.memory_space<vmem>>) dst(%dma_wait3A_433 : memref<256x64xf32, #tpu.memory_space<hbm>>)
    %add3A_437 = arith.constant 798 : i32
    %add3A_438 = arith.addi %multiple_of3A, %add3A_437 : i32
    %run_scoped3A_439 = arith.constant 3 : i32
    "tpu.region"() ({
      %run_scoped3A_578 = tpu.sem_alloc : memref<!tpu.dma_semaphore, #tpu.memory_space<semaphore_mem>>
      %dma_start3A_579 = arith.constant 0 : i32
      %dma_start3A_580 = arith.constant 0 : i32
      %dma_start3A_581 = tpu.memref_slice %arg5[%run_scoped3A_439, %dma_start3A_579, %dma_start3A_580] : memref<4x2x128xi32, #tpu.memory_space<vmem>> -> memref<1x2x128xi32, #tpu.memory_space<vmem>>
      %dma_start3A_582 = tpu.memref_squeeze %dma_start3A_581 : memref<1x2x128xi32, #tpu.memory_space<vmem>> -> memref<2x128xi32, #tpu.memory_space<vmem>>
      %dma_start3A_583 = arith.constant 0 : i32
      %dma_start3A_584 = tpu.memref_slice %arg3[%add3A_438, %dma_start3A_583] : memref<25600x128xi32, #tpu.memory_space<hbm>> -> memref<2x128xi32, #tpu.memory_space<hbm>>
      %dma_start3A_585 = arith.constant 0 : i32
      %dma_start3A_586 = arith.constant 0 : i32
      %dma_start3A_587 = tpu.memref_slice %arg5[%run_scoped3A_439, %dma_start3A_585, %dma_start3A_586] : memref<4x2x128xi32, #tpu.memory_space<vmem>> -> memref<1x2x128xi32, #tpu.memory_space<vmem>>
      %dma_start3A_588 = tpu.memref_squeeze %dma_start3A_587 : memref<1x2x128xi32, #tpu.memory_space<vmem>> -> memref<2x128xi32, #tpu.memory_space<vmem>>
      %dma_start3A_589 = arith.constant 0 : i32
      %dma_start3A_590 = tpu.memref_slice %arg3[%add3A_438, %dma_start3A_589] : memref<25600x128xi32, #tpu.memory_space<hbm>> -> memref<2x128xi32, #tpu.memory_space<hbm>>
      tpu.enqueue_dma source(%dma_start3A_590 : memref<2x128xi32, #tpu.memory_space<hbm>>) target(%dma_start3A_588 : memref<2x128xi32, #tpu.memory_space<vmem>>) target_semaphore(%run_scoped3A_578 : memref<!tpu.dma_semaphore, #tpu.memory_space<semaphore_mem>>)
      %dma_wait3A_591 = arith.constant 0 : i32
      %dma_wait3A_592 = arith.constant 0 : i32
      %dma_wait3A_593 = tpu.memref_slice %arg5[%run_scoped3A_439, %dma_wait3A_591, %dma_wait3A_592] : memref<4x2x128xi32, #tpu.memory_space<vmem>> -> memref<1x2x128xi32, #tpu.memory_space<vmem>>
      %dma_wait3A_594 = tpu.memref_squeeze %dma_wait3A_593 : memref<1x2x128xi32, #tpu.memory_space<vmem>> -> memref<2x128xi32, #tpu.memory_space<vmem>>
      %dma_wait3A_595 = arith.constant 0 : i32
      %dma_wait3A_596 = tpu.memref_slice %arg3[%add3A_438, %dma_wait3A_595] : memref<25600x128xi32, #tpu.memory_space<hbm>> -> memref<2x128xi32, #tpu.memory_space<hbm>>
      %dma_wait3A_597 = arith.constant 0 : i32
      %dma_wait3A_598 = arith.constant 0 : i32
      %dma_wait3A_599 = tpu.memref_slice %arg5[%run_scoped3A_439, %dma_wait3A_597, %dma_wait3A_598] : memref<4x2x128xi32, #tpu.memory_space<vmem>> -> memref<1x2x128xi32, #tpu.memory_space<vmem>>
      %dma_wait3A_600 = tpu.memref_squeeze %dma_wait3A_599 : memref<1x2x128xi32, #tpu.memory_space<vmem>> -> memref<2x128xi32, #tpu.memory_space<vmem>>
      %dma_wait3A_601 = arith.constant 0 : i32
      %dma_wait3A_602 = tpu.memref_slice %arg3[%add3A_438, %dma_wait3A_601] : memref<25600x128xi32, #tpu.memory_space<hbm>> -> memref<2x128xi32, #tpu.memory_space<hbm>>
      tpu.wait_dma2 semaphore(%run_scoped3A_578 : memref<!tpu.dma_semaphore, #tpu.memory_space<semaphore_mem>>) src(%dma_wait3A_602 : memref<2x128xi32, #tpu.memory_space<hbm>>) dst(%dma_wait3A_600 : memref<2x128xi32, #tpu.memory_space<vmem>>)
      tpu.yield
    }) : () -> ()
    %dma_start3A_440 = arith.constant 3 : i32
    %dma_start3A_441 = arith.constant 0 : i32
    %dma_start3A_442 = arith.constant 768 : i32
    %dma_start3A_443 = arith.constant 0 : i32
    %dma_start3A_444 = tpu.memref_slice %arg6[%dma_start3A_442, %dma_start3A_443] : memref<1024x64xf32, #tpu.memory_space<vmem>> -> memref<128x64xf32, #tpu.memory_space<vmem>>
    %dma_start3A_445 = arith.constant 0 : i32
    %dma_start3A_446 = tpu.memref_slice %arg5[%dma_start3A_440, %dma_start3A_441, %dma_start3A_445] : memref<4x2x128xi32, #tpu.memory_space<vmem>> -> memref<1x1x128xi32, #tpu.memory_space<vmem>>
    %dma_start3A_447 = tpu.memref_squeeze %dma_start3A_446 : memref<1x1x128xi32, #tpu.memory_space<vmem>> -> memref<128xi32, #tpu.memory_space<vmem>>
    %dma_start3A_448 = arith.constant 0 : i32
    %dma_start3A_449 = arith.constant 0 : i32
    %dma_start3A_450 = tpu.memref_slice %arg7[%dma_start3A_448, %dma_start3A_449] : memref<1000x64xf32, #tpu.memory_space<vmem_shared>> -> memref<1000x64xf32, #tpu.memory_space<vmem_shared>>
    tpu.enqueue_indirect_dma source(%dma_start3A_450 : memref<1000x64xf32, #tpu.memory_space<vmem_shared>>) target(%dma_start3A_444 : memref<128x64xf32, #tpu.memory_space<vmem>>) offsets(%dma_start3A_447 : memref<128xi32, #tpu.memory_space<vmem>>) semaphore(%arg11 : memref<!tpu.dma_semaphore, #tpu.memory_space<semaphore_mem>>)
    %dma_start3A_451 = arith.constant 3 : i32
    %dma_start3A_452 = arith.constant 1 : i32
    %dma_start3A_453 = arith.constant 896 : i32
    %dma_start3A_454 = arith.constant 0 : i32
    %dma_start3A_455 = tpu.memref_slice %arg6[%dma_start3A_453, %dma_start3A_454] : memref<1024x64xf32, #tpu.memory_space<vmem>> -> memref<128x64xf32, #tpu.memory_space<vmem>>
    %dma_start3A_456 = arith.constant 0 : i32
    %dma_start3A_457 = tpu.memref_slice %arg5[%dma_start3A_451, %dma_start3A_452, %dma_start3A_456] : memref<4x2x128xi32, #tpu.memory_space<vmem>> -> memref<1x1x128xi32, #tpu.memory_space<vmem>>
    %dma_start3A_458 = tpu.memref_squeeze %dma_start3A_457 : memref<1x1x128xi32, #tpu.memory_space<vmem>> -> memref<128xi32, #tpu.memory_space<vmem>>
    %dma_start3A_459 = arith.constant 0 : i32
    %dma_start3A_460 = arith.constant 0 : i32
    %dma_start3A_461 = tpu.memref_slice %arg7[%dma_start3A_459, %dma_start3A_460] : memref<1000x64xf32, #tpu.memory_space<vmem_shared>> -> memref<1000x64xf32, #tpu.memory_space<vmem_shared>>
    tpu.enqueue_indirect_dma source(%dma_start3A_461 : memref<1000x64xf32, #tpu.memory_space<vmem_shared>>) target(%dma_start3A_455 : memref<128x64xf32, #tpu.memory_space<vmem>>) offsets(%dma_start3A_458 : memref<128xi32, #tpu.memory_space<vmem>>) semaphore(%arg11 : memref<!tpu.dma_semaphore, #tpu.memory_space<semaphore_mem>>)
    %dma_wait3A_462 = arith.constant 2 : i32
    %dma_wait3A_463 = arith.constant 0 : i32
    %dma_wait3A_464 = arith.constant 512 : i32
    %dma_wait3A_465 = arith.constant 0 : i32
    %dma_wait3A_466 = tpu.memref_slice %arg6[%dma_wait3A_464, %dma_wait3A_465] : memref<1024x64xf32, #tpu.memory_space<vmem>> -> memref<128x64xf32, #tpu.memory_space<vmem>>
    %dma_wait3A_467 = arith.constant 0 : i32
    %dma_wait3A_468 = tpu.memref_slice %arg5[%dma_wait3A_462, %dma_wait3A_463, %dma_wait3A_467] : memref<4x2x128xi32, #tpu.memory_space<vmem>> -> memref<1x1x128xi32, #tpu.memory_space<vmem>>
    %dma_wait3A_469 = tpu.memref_squeeze %dma_wait3A_468 : memref<1x1x128xi32, #tpu.memory_space<vmem>> -> memref<128xi32, #tpu.memory_space<vmem>>
    %dma_wait3A_470 = arith.constant 0 : i32
    %dma_wait3A_471 = arith.constant 0 : i32
    %dma_wait3A_472 = tpu.memref_slice %arg7[%dma_wait3A_470, %dma_wait3A_471] : memref<1000x64xf32, #tpu.memory_space<vmem_shared>> -> memref<1000x64xf32, #tpu.memory_space<vmem_shared>>
    tpu.wait_indirect_dma semaphore(%arg10 : memref<!tpu.dma_semaphore, #tpu.memory_space<semaphore_mem>>) src(%dma_wait3A_472 : memref<1000x64xf32, #tpu.memory_space<vmem_shared>>) dst(%dma_wait3A_466 : memref<128x64xf32, #tpu.memory_space<vmem>>)
    %dma_wait3A_473 = arith.constant 2 : i32
    %dma_wait3A_474 = arith.constant 1 : i32
    %dma_wait3A_475 = arith.constant 640 : i32
    %dma_wait3A_476 = arith.constant 0 : i32
    %dma_wait3A_477 = tpu.memref_slice %arg6[%dma_wait3A_475, %dma_wait3A_476] : memref<1024x64xf32, #tpu.memory_space<vmem>> -> memref<128x64xf32, #tpu.memory_space<vmem>>
    %dma_wait3A_478 = arith.constant 0 : i32
    %dma_wait3A_479 = tpu.memref_slice %arg5[%dma_wait3A_473, %dma_wait3A_474, %dma_wait3A_478] : memref<4x2x128xi32, #tpu.memory_space<vmem>> -> memref<1x1x128xi32, #tpu.memory_space<vmem>>
    %dma_wait3A_480 = tpu.memref_squeeze %dma_wait3A_479 : memref<1x1x128xi32, #tpu.memory_space<vmem>> -> memref<128xi32, #tpu.memory_space<vmem>>
    %dma_wait3A_481 = arith.constant 0 : i32
    %dma_wait3A_482 = arith.constant 0 : i32
    %dma_wait3A_483 = tpu.memref_slice %arg7[%dma_wait3A_481, %dma_wait3A_482] : memref<1000x64xf32, #tpu.memory_space<vmem_shared>> -> memref<1000x64xf32, #tpu.memory_space<vmem_shared>>
    tpu.wait_indirect_dma semaphore(%arg10 : memref<!tpu.dma_semaphore, #tpu.memory_space<semaphore_mem>>) src(%dma_wait3A_483 : memref<1000x64xf32, #tpu.memory_space<vmem_shared>>) dst(%dma_wait3A_477 : memref<128x64xf32, #tpu.memory_space<vmem>>)
    %add3A_484 = arith.constant 101888 : i32
    %add3A_485 = arith.addi %multiple_of3A_7, %add3A_484 : i32
    %dma_start3A_486 = arith.constant 512 : i32
    %dma_start3A_487 = arith.constant 0 : i32
    %dma_start3A_488 = tpu.memref_slice %arg6[%dma_start3A_486, %dma_start3A_487] : memref<1024x64xf32, #tpu.memory_space<vmem>> -> memref<256x64xf32, #tpu.memory_space<vmem>>
    %dma_start3A_489 = arith.constant 0 : i32
    %dma_start3A_490 = tpu.memref_slice %arg4[%add3A_485, %dma_start3A_489] : memref<3276800x64xf32, #tpu.memory_space<hbm>> -> memref<256x64xf32, #tpu.memory_space<hbm>>
    %dma_start3A_491 = arith.constant 0 : i32
    %dma_start3A_492 = tpu.memref_slice %arg4[%add3A_485, %dma_start3A_491] : memref<3276800x64xf32, #tpu.memory_space<hbm>> -> memref<256x64xf32, #tpu.memory_space<hbm>>
    %dma_start3A_493 = arith.constant 512 : i32
    %dma_start3A_494 = arith.constant 0 : i32
    %dma_start3A_495 = tpu.memref_slice %arg6[%dma_start3A_493, %dma_start3A_494] : memref<1024x64xf32, #tpu.memory_space<vmem>> -> memref<256x64xf32, #tpu.memory_space<vmem>>
    tpu.enqueue_dma source(%dma_start3A_495 : memref<256x64xf32, #tpu.memory_space<vmem>>) target(%dma_start3A_492 : memref<256x64xf32, #tpu.memory_space<hbm>>) target_semaphore(%arg14 : memref<!tpu.dma_semaphore, #tpu.memory_space<semaphore_mem>>)
    %add3A_496 = arith.constant 101376 : i32
    %add3A_497 = arith.addi %multiple_of3A_7, %add3A_496 : i32
    %dma_wait3A_498 = arith.constant 0 : i32
    %dma_wait3A_499 = arith.constant 0 : i32
    %dma_wait3A_500 = tpu.memref_slice %arg6[%dma_wait3A_498, %dma_wait3A_499] : memref<1024x64xf32, #tpu.memory_space<vmem>> -> memref<256x64xf32, #tpu.memory_space<vmem>>
    %dma_wait3A_501 = arith.constant 0 : i32
    %dma_wait3A_502 = tpu.memref_slice %arg4[%add3A_497, %dma_wait3A_501] : memref<3276800x64xf32, #tpu.memory_space<hbm>> -> memref<256x64xf32, #tpu.memory_space<hbm>>
    %dma_wait3A_503 = arith.constant 0 : i32
    %dma_wait3A_504 = tpu.memref_slice %arg4[%add3A_497, %dma_wait3A_503] : memref<3276800x64xf32, #tpu.memory_space<hbm>> -> memref<256x64xf32, #tpu.memory_space<hbm>>
    %dma_wait3A_505 = arith.constant 0 : i32
    %dma_wait3A_506 = arith.constant 0 : i32
    %dma_wait3A_507 = tpu.memref_slice %arg6[%dma_wait3A_505, %dma_wait3A_506] : memref<1024x64xf32, #tpu.memory_space<vmem>> -> memref<256x64xf32, #tpu.memory_space<vmem>>
    tpu.wait_dma2 semaphore(%arg12 : memref<!tpu.dma_semaphore, #tpu.memory_space<semaphore_mem>>) src(%dma_wait3A_507 : memref<256x64xf32, #tpu.memory_space<vmem>>) dst(%dma_wait3A_504 : memref<256x64xf32, #tpu.memory_space<hbm>>)
    %dma_wait3A_508 = arith.constant 3 : i32
    %dma_wait3A_509 = arith.constant 0 : i32
    %dma_wait3A_510 = arith.constant 768 : i32
    %dma_wait3A_511 = arith.constant 0 : i32
    %dma_wait3A_512 = tpu.memref_slice %arg6[%dma_wait3A_510, %dma_wait3A_511] : memref<1024x64xf32, #tpu.memory_space<vmem>> -> memref<128x64xf32, #tpu.memory_space<vmem>>
    %dma_wait3A_513 = arith.constant 0 : i32
    %dma_wait3A_514 = tpu.memref_slice %arg5[%dma_wait3A_508, %dma_wait3A_509, %dma_wait3A_513] : memref<4x2x128xi32, #tpu.memory_space<vmem>> -> memref<1x1x128xi32, #tpu.memory_space<vmem>>
    %dma_wait3A_515 = tpu.memref_squeeze %dma_wait3A_514 : memref<1x1x128xi32, #tpu.memory_space<vmem>> -> memref<128xi32, #tpu.memory_space<vmem>>
    %dma_wait3A_516 = arith.constant 0 : i32
    %dma_wait3A_517 = arith.constant 0 : i32
    %dma_wait3A_518 = tpu.memref_slice %arg7[%dma_wait3A_516, %dma_wait3A_517] : memref<1000x64xf32, #tpu.memory_space<vmem_shared>> -> memref<1000x64xf32, #tpu.memory_space<vmem_shared>>
    tpu.wait_indirect_dma semaphore(%arg11 : memref<!tpu.dma_semaphore, #tpu.memory_space<semaphore_mem>>) src(%dma_wait3A_518 : memref<1000x64xf32, #tpu.memory_space<vmem_shared>>) dst(%dma_wait3A_512 : memref<128x64xf32, #tpu.memory_space<vmem>>)
    %dma_wait3A_519 = arith.constant 3 : i32
    %dma_wait3A_520 = arith.constant 1 : i32
    %dma_wait3A_521 = arith.constant 896 : i32
    %dma_wait3A_522 = arith.constant 0 : i32
    %dma_wait3A_523 = tpu.memref_slice %arg6[%dma_wait3A_521, %dma_wait3A_522] : memref<1024x64xf32, #tpu.memory_space<vmem>> -> memref<128x64xf32, #tpu.memory_space<vmem>>
    %dma_wait3A_524 = arith.constant 0 : i32
    %dma_wait3A_525 = tpu.memref_slice %arg5[%dma_wait3A_519, %dma_wait3A_520, %dma_wait3A_524] : memref<4x2x128xi32, #tpu.memory_space<vmem>> -> memref<1x1x128xi32, #tpu.memory_space<vmem>>
    %dma_wait3A_526 = tpu.memref_squeeze %dma_wait3A_525 : memref<1x1x128xi32, #tpu.memory_space<vmem>> -> memref<128xi32, #tpu.memory_space<vmem>>
    %dma_wait3A_527 = arith.constant 0 : i32
    %dma_wait3A_528 = arith.constant 0 : i32
    %dma_wait3A_529 = tpu.memref_slice %arg7[%dma_wait3A_527, %dma_wait3A_528] : memref<1000x64xf32, #tpu.memory_space<vmem_shared>> -> memref<1000x64xf32, #tpu.memory_space<vmem_shared>>
    tpu.wait_indirect_dma semaphore(%arg11 : memref<!tpu.dma_semaphore, #tpu.memory_space<semaphore_mem>>) src(%dma_wait3A_529 : memref<1000x64xf32, #tpu.memory_space<vmem_shared>>) dst(%dma_wait3A_523 : memref<128x64xf32, #tpu.memory_space<vmem>>)
    %add3A_530 = arith.constant 102144 : i32
    %add3A_531 = arith.addi %multiple_of3A_7, %add3A_530 : i32
    %dma_start3A_532 = arith.constant 768 : i32
    %dma_start3A_533 = arith.constant 0 : i32
    %dma_start3A_534 = tpu.memref_slice %arg6[%dma_start3A_532, %dma_start3A_533] : memref<1024x64xf32, #tpu.memory_space<vmem>> -> memref<256x64xf32, #tpu.memory_space<vmem>>
    %dma_start3A_535 = arith.constant 0 : i32
    %dma_start3A_536 = tpu.memref_slice %arg4[%add3A_531, %dma_start3A_535] : memref<3276800x64xf32, #tpu.memory_space<hbm>> -> memref<256x64xf32, #tpu.memory_space<hbm>>
    %dma_start3A_537 = arith.constant 0 : i32
    %dma_start3A_538 = tpu.memref_slice %arg4[%add3A_531, %dma_start3A_537] : memref<3276800x64xf32, #tpu.memory_space<hbm>> -> memref<256x64xf32, #tpu.memory_space<hbm>>
    %dma_start3A_539 = arith.constant 768 : i32
    %dma_start3A_540 = arith.constant 0 : i32
    %dma_start3A_541 = tpu.memref_slice %arg6[%dma_start3A_539, %dma_start3A_540] : memref<1024x64xf32, #tpu.memory_space<vmem>> -> memref<256x64xf32, #tpu.memory_space<vmem>>
    tpu.enqueue_dma source(%dma_start3A_541 : memref<256x64xf32, #tpu.memory_space<vmem>>) target(%dma_start3A_538 : memref<256x64xf32, #tpu.memory_space<hbm>>) target_semaphore(%arg15 : memref<!tpu.dma_semaphore, #tpu.memory_space<semaphore_mem>>)
    %add3A_542 = arith.constant 101632 : i32
    %add3A_543 = arith.addi %multiple_of3A_7, %add3A_542 : i32
    %dma_wait3A_544 = arith.constant 256 : i32
    %dma_wait3A_545 = arith.constant 0 : i32
    %dma_wait3A_546 = tpu.memref_slice %arg6[%dma_wait3A_544, %dma_wait3A_545] : memref<1024x64xf32, #tpu.memory_space<vmem>> -> memref<256x64xf32, #tpu.memory_space<vmem>>
    %dma_wait3A_547 = arith.constant 0 : i32
    %dma_wait3A_548 = tpu.memref_slice %arg4[%add3A_543, %dma_wait3A_547] : memref<3276800x64xf32, #tpu.memory_space<hbm>> -> memref<256x64xf32, #tpu.memory_space<hbm>>
    %dma_wait3A_549 = arith.constant 0 : i32
    %dma_wait3A_550 = tpu.memref_slice %arg4[%add3A_543, %dma_wait3A_549] : memref<3276800x64xf32, #tpu.memory_space<hbm>> -> memref<256x64xf32, #tpu.memory_space<hbm>>
    %dma_wait3A_551 = arith.constant 256 : i32
    %dma_wait3A_552 = arith.constant 0 : i32
    %dma_wait3A_553 = tpu.memref_slice %arg6[%dma_wait3A_551, %dma_wait3A_552] : memref<1024x64xf32, #tpu.memory_space<vmem>> -> memref<256x64xf32, #tpu.memory_space<vmem>>
    tpu.wait_dma2 semaphore(%arg13 : memref<!tpu.dma_semaphore, #tpu.memory_space<semaphore_mem>>) src(%dma_wait3A_553 : memref<256x64xf32, #tpu.memory_space<vmem>>) dst(%dma_wait3A_550 : memref<256x64xf32, #tpu.memory_space<hbm>>)
    %add3A_554 = arith.constant 101888 : i32
    %add3A_555 = arith.addi %multiple_of3A_7, %add3A_554 : i32
    %dma_wait3A_556 = arith.constant 512 : i32
    %dma_wait3A_557 = arith.constant 0 : i32
    %dma_wait3A_558 = tpu.memref_slice %arg6[%dma_wait3A_556, %dma_wait3A_557] : memref<1024x64xf32, #tpu.memory_space<vmem>> -> memref<256x64xf32, #tpu.memory_space<vmem>>
    %dma_wait3A_559 = arith.constant 0 : i32
    %dma_wait3A_560 = tpu.memref_slice %arg4[%add3A_555, %dma_wait3A_559] : memref<3276800x64xf32, #tpu.memory_space<hbm>> -> memref<256x64xf32, #tpu.memory_space<hbm>>
    %dma_wait3A_561 = arith.constant 0 : i32
    %dma_wait3A_562 = tpu.memref_slice %arg4[%add3A_555, %dma_wait3A_561] : memref<3276800x64xf32, #tpu.memory_space<hbm>> -> memref<256x64xf32, #tpu.memory_space<hbm>>
    %dma_wait3A_563 = arith.constant 512 : i32
    %dma_wait3A_564 = arith.constant 0 : i32
    %dma_wait3A_565 = tpu.memref_slice %arg6[%dma_wait3A_563, %dma_wait3A_564] : memref<1024x64xf32, #tpu.memory_space<vmem>> -> memref<256x64xf32, #tpu.memory_space<vmem>>
    tpu.wait_dma2 semaphore(%arg14 : memref<!tpu.dma_semaphore, #tpu.memory_space<semaphore_mem>>) src(%dma_wait3A_565 : memref<256x64xf32, #tpu.memory_space<vmem>>) dst(%dma_wait3A_562 : memref<256x64xf32, #tpu.memory_space<hbm>>)
    %add3A_566 = arith.constant 102144 : i32
    %add3A_567 = arith.addi %multiple_of3A_7, %add3A_566 : i32
    %dma_wait3A_568 = arith.constant 768 : i32
    %dma_wait3A_569 = arith.constant 0 : i32
    %dma_wait3A_570 = tpu.memref_slice %arg6[%dma_wait3A_568, %dma_wait3A_569] : memref<1024x64xf32, #tpu.memory_space<vmem>> -> memref<256x64xf32, #tpu.memory_space<vmem>>
    %dma_wait3A_571 = arith.constant 0 : i32
    %dma_wait3A_572 = tpu.memref_slice %arg4[%add3A_567, %dma_wait3A_571] : memref<3276800x64xf32, #tpu.memory_space<hbm>> -> memref<256x64xf32, #tpu.memory_space<hbm>>
    %dma_wait3A_573 = arith.constant 0 : i32
    %dma_wait3A_574 = tpu.memref_slice %arg4[%add3A_567, %dma_wait3A_573] : memref<3276800x64xf32, #tpu.memory_space<hbm>> -> memref<256x64xf32, #tpu.memory_space<hbm>>
    %dma_wait3A_575 = arith.constant 768 : i32
    %dma_wait3A_576 = arith.constant 0 : i32
    %dma_wait3A_577 = tpu.memref_slice %arg6[%dma_wait3A_575, %dma_wait3A_576] : memref<1024x64xf32, #tpu.memory_space<vmem>> -> memref<256x64xf32, #tpu.memory_space<vmem>>
    tpu.wait_dma2 semaphore(%arg15 : memref<!tpu.dma_semaphore, #tpu.memory_space<semaphore_mem>>) src(%dma_wait3A_577 : memref<256x64xf32, #tpu.memory_space<vmem>>) dst(%dma_wait3A_574 : memref<256x64xf32, #tpu.memory_space<hbm>>)
    return
  }
}

module attributes {stable_mosaic.version = 14 : i64} {
  func.func @_table_body(%arg0: memref<1000x2xf32, #tpu.memory_space<vmem>>, %arg1: memref<2x64xf32, #tpu.memory_space<vmem>>, %arg2: memref<1000x64xf32, #tpu.memory_space<vmem>>) attributes {dimension_semantics = [], scalar_prefetch = 0 : i64, scratch_operands = 0 : i64, tpu.core_type = #tpu.core_type<tc>} {
    %get3A = arith.constant 0 : index
    %get3A_0 = arith.constant 0 : index
    %get3A_1 = vector.load %arg0[%get3A, %get3A_0] : memref<1000x2xf32, #tpu.memory_space<vmem>>, vector<1000x2xf32>
    %get3A_2 = arith.constant 0 : index
    %get3A_3 = arith.constant 0 : index
    %get3A_4 = vector.load %arg1[%get3A_2, %get3A_3] : memref<2x64xf32, #tpu.memory_space<vmem>>, vector<2x64xf32>
    %dot_general3A = arith.constant dense<0.000000e+00> : vector<1000x64xf32>
    %dot_general3A_5 = tpu.matmul %get3A_1, %get3A_4, %dot_general3A {dimension_numbers = #tpu.dot_dimension_numbers<[1], [0], [0], [1], [0, 0, 1, 1], [], []>, transpose_lhs_hint = false} : vector<1000x2xf32>, vector<2x64xf32>, vector<1000x64xf32> -> vector<1000x64xf32>
    %swap3A = arith.constant 0 : index
    %swap3A_6 = arith.constant 0 : index
    %swap3A_7 = vector.load %arg2[%swap3A, %swap3A_6] : memref<1000x64xf32, #tpu.memory_space<vmem>>, vector<1000x64xf32>
    tpu.vector_store %arg2[%swap3A, %swap3A_6], %dot_general3A_5 {strides = array<i32>} : memref<1000x64xf32, #tpu.memory_space<vmem>>, vector<1000x64xf32>,
    return
  }
}

</mosaic_0001>

<sc_bundles>
// kernel: kernel.4.cloned.1.call-start
scs
__scs_entry_jumppad:
0x0: {  	(pc) =	sbr.rel $0x88, $3  }
0x1: {  	(tag) =	ssettag $0x0;
	lr =	simm.s32 $0x1  }
0x2: {  	[smem:$0x3F9E] =	sst lr;
	_ =	strace $0xD0000000  }
0x3: {  	_ = 	snop  }
0x4: {  	_ = 	snop  }
0x5: {  	_ = 	snop  }
0x6: {  	_ = 	snop  }
0x7: {  	_ = 	snop  }
__scs_overlays_trampoline_lowered:
0x8: {  	[smem:$0x3FAD] =	sst s0  }
0x9: {  	[smem:$0x3FAE] =	sst s1  }
0xa: {  	[smem:$0x3FAF] =	sst s2  }
0xb: {  	[smem:$0x3FB0] =	sst s3  }
0xc: {  	[smem:$0x3FB1] =	sst s4  }
0xd: {  	[smem:$0x3FB2] =	sst s5  }
0xe: {  	[smem:$0x3FB3] =	sst s6  }
0xf: {  	[smem:$0x3FB4] =	sst s7  }
0x10: {  	[smem:$0x3FB5] =	sst s8  }
0x11: {  	[smem:$0x3FB6] =	sst s9;
	s0 =	simm.s32 @!p0 $0x0  }
0x12: {  	s1 =	sld [smem:$0x3F9C];
	s0 =	simm.s32 @p0 $0x1  }
0x13: {  	[smem:$0x3FB7] =	sst s0;
	s0 =	simm.s32 @!p1 $0x0  }
0x14: {  	s2 =	sld [smem:$0x3F9B];
	s0 =	simm.s32 @p1 $0x1  }
0x15: {  	[smem:$0x3FB8] =	sst s0;
	s0 =	simm.s32 @!p2 $0x0  }
0x16: {  	s3 =	sld [smem:$0x3FDB];
	s0 =	simm.s32 @p2 $0x1  }
0x17: {  	s4 =	simm.s32 $0x1BF5;
	[smem:$0x3FBA] =	sst s0  }
0x18: {  	s0 =	sld [smem:$0x3F9D];
	_ =	swait.ge [sflag:s4], $0x0  }
0x19: {  	s7 =	sld [smem:$0x3F9E]  }
0x1a: {  	s8 =	sadd.s32 $0xFFFFE003, lr  }
0x1b: {  	s9 =	sadd.s32 $0xFFFFFEF7, lr;
	s5 =	simm.s32 $0xFFFFFFFF;
	p2 =	slt.u32 s8, $0xFFFFF086  }
0x1c: {  	p1 =	slt.u32 s9, $0xF7A;
	s5 =	simm.s32 @!p2 $0x0  }
0x1d: {  	s5 =	simm.s32 @p1 $0x1;
	p0 =	seq.s32 s7, s2  }
0x1e: {  	s7 =	smul.u32 @!p0 $0xF7A, s2;
	p2 =	seq.s32 @!p0 s5, $0x0  }
0x1f: {  	s9 =	smul.u32 $0xF7A, s1;
	s8 =	simm.s32 @!p0 $0x1BF5;
	p2 =	por !p2, p0  }
0x20: {  	[sflag:s8] =	ssyncset.s32 @!p0 $0xFFFFF086;
	s6 =	sadd.s32 @!p0 s3, s7;
	s7 =	simm.s32 @!p0 $0x108  }
0x21: {  	s3 =	sadd.s32 s3, s9;
	s6 =	sadd.s32 @!p0 $0x88, s6;
	s7 =	simm.s32 @p2 $0x1082  }
0x22: {  	[simem:s7], [sflag:s8] =	dma.local @!p0 [hbm:s6], $0xF7A  }
0x23: {  	s9 =	sor.u32 $0xD0000000, s2;
	s6 =	simm.s32 $0x108;
	_ =	swait.ge @!p0 [sflag:s8], $0x0  }
0x24: {  	s3 =	sadd.s32 $0x88, s3;
	s6 =	simm.s32 @!p1 $0x1082;
	[sflag:s4] =	ssyncset.s32 $0xFFFFF086  }
0x25: {  	[simem:s6], [sflag:s4] =	dma.local [hbm:s3], $0xF7A  }
0x26: {  	[smem:$0x3F9E] =	sst s1;
	(tag) =	ssettag s2;
	_ =	strace s9  }
0x27: {  	s1 =	sld [smem:$0x3FAE]  }
0x28: {  	s2 =	sld [smem:$0x3FAF]  }
0x29: {  	s4 =	sld [smem:$0x3FB1]  }
0x2a: {  	p0 =	seq.s32 s5, $0x0;
	s5 =	sld [smem:$0x3FB2]  }
0x2b: {  	s6 =	sld [smem:$0x3FB3]  }
0x2c: {  	s7 =	sld [smem:$0x3FB4]  }
0x2d: {  	s3 =	simm.s32 $0x108;
	s8 =	sld [smem:$0x3FB5]  }
0x2e: {  	s3 =	simm.s32 @!p0 $0x1082;
	s9 =	sld [smem:$0x3FB6]  }
0x2f: {  	lr =	sadd.s32 s0, s3;
	s0 =	sld [smem:$0x3FAD]  }
0x30: {  	s3 =	sld [smem:$0x3FB0]  }
0x31: {  	[smem:$0x3FB9] =	sst s10  }
0x32: {  	s10 =	sld [smem:$0x3FB7];
	_ =	sdelay $0x3  }
0x33: {  	p0 =	seq.s32 s10, $0x1;
	s10 =	sld [smem:$0x3FB9];
	_ =	sdelay $0x3  }
0x34: {  	[smem:$0x3FB9] =	sst s10  }
0x35: {  	s10 =	sld [smem:$0x3FB8];
	_ =	sdelay $0x3  }
0x36: {  	p1 =	seq.s32 s10, $0x1;
	s10 =	sld [smem:$0x3FB9];
	_ =	sdelay $0x3  }
0x37: {  	[smem:$0x3FB9] =	sst s10  }
0x38: {  	s10 =	sld [smem:$0x3FBA]  }
0x39: {  	_ = 	snop;
	(pc) =	sbr.ind lr, $3  }
0x3a: {  	_ = 	snop  }
0x3b: {  	_ = 	snop  }
0x3c: {  	p2 =	seq.s32 s10, $0x1;
	s10 =	sld [smem:$0x3FB9]  }
0x3d: {  	_ =	shalt  }
0x3e: {  	_ =	shalt  }
0x3f: {  	_ =	shalt  }
0x40: {  	_ =	shalt  }
0x41: {  	_ =	shalt  }
0x42: {  	_ =	shalt  }
0x43: {  	_ =	shalt  }
0x44: {  	_ =	shalt  }
0x45: {  	_ =	shalt  }
0x46: {  	_ =	shalt  }
0x47: {  	_ =	shalt  }
0x48: {  	_ =	shalt  }
0x49: {  	_ =	shalt  }
0x4a: {  	_ =	shalt  }
0x4b: {  	_ =	shalt  }
0x4c: {  	_ =	shalt  }
0x4d: {  	_ =	shalt  }
0x4e: {  	_ =	shalt  }
0x4f: {  	_ =	shalt  }
0x50: {  	_ =	shalt  }
0x51: {  	_ =	shalt  }
0x52: {  	_ =	shalt  }
0x53: {  	_ =	shalt  }
0x54: {  	_ =	shalt  }
0x55: {  	_ =	shalt  }
0x56: {  	_ =	shalt  }
0x57: {  	_ =	shalt  }
0x58: {  	_ =	shalt  }
0x59: {  	_ =	shalt  }
0x5a: {  	_ =	shalt  }
0x5b: {  	_ =	shalt  }
0x5c: {  	_ =	shalt  }
0x5d: {  	_ =	shalt  }
0x5e: {  	_ =	shalt  }
0x5f: {  	_ =	shalt  }
0x60: {  	_ =	shalt  }
0x61: {  	_ =	shalt  }
0x62: {  	_ =	shalt  }
0x63: {  	_ =	shalt  }
0x64: {  	_ =	shalt  }
0x65: {  	_ =	shalt  }
0x66: {  	_ =	shalt  }
0x67: {  	_ =	shalt  }
0x68: {  	_ =	shalt  }
0x69: {  	_ =	shalt  }
0x6a: {  	_ =	shalt  }
0x6b: {  	_ =	shalt  }
0x6c: {  	_ =	shalt  }
0x6d: {  	_ =	shalt  }
0x6e: {  	_ =	shalt  }
0x6f: {  	_ =	shalt  }
0x70: {  	_ =	shalt  }
0x71: {  	_ =	shalt  }
0x72: {  	_ =	shalt  }
0x73: {  	_ =	shalt  }
0x74: {  	_ =	shalt  }
0x75: {  	_ =	shalt  }
0x76: {  	_ =	shalt  }
0x77: {  	_ =	shalt  }
0x78: {  	_ =	shalt  }
0x79: {  	_ =	shalt  }
0x7a: {  	_ =	shalt  }
0x7b: {  	_ =	shalt  }
0x7c: {  	_ =	shalt  }
0x7d: {  	_ =	shalt  }
0x7e: {  	_ =	shalt  }
0x7f: {  	_ =	shalt  }
0x80: {  	_ =	shalt  }
0x81: {  	_ =	shalt  }
0x82: {  	_ =	shalt  }
0x83: {  	_ =	shalt  }
0x84: {  	_ =	shalt  }
0x85: {  	_ =	shalt  }
0x86: {  	_ =	shalt  }
0x87: {  	_ =	shalt  }
.Lfunc_end0:
.L_simem_size_0:
called_computation.1_lowered:
.L_overlay_start_0:
0x88: {  	s2 =	sld [smem:$0x3FD9]  }
0x89: {  	s3 =	sld [smem:$0x3FFE];
	_ =	sdelay $0x1  }
0x8a: {  	s1 =	srdreg.scid  }
0x8b: {  	s0 =	sand.u32 $0x1, s1  }
0x8c: {  	s17 =	sshll.u32 s0, $0xA;
	s2 =	sadd.s32 s3, s2  }
0x8d: {  	s2 =	sadd.s32 s2, s17  }
0x8e: {  	[smem:$0x3FC5] =	sst s2  }
0x8f: {  	_ = 	snop  }
0x90: {  	s2 =	sld [smem:$0x3FD0];
	(tm) =	ssettm $0x1  }
0x91: {  	s18 =	sld [smem:$0x3FFB];
	_ =	sdelay $0x3  }
0x92: {  	_ =	strace s18  }
0x93: {  	s3 =	sld [smem:$0x3FFC];
	_ =	sdelay $0x3  }
0x94: {  	_ =	strace s3  }
0x95: {  	s3 =	sld [smem:$0x3FFD];
	_ =	sdelay $0x3  }
0x96: {  	_ =	strace s3  }
0x97: {  	_ =	strace $0x8FFFFFFF  }
0x98: {  	s19 =	sld [smem:$0x3FDB];
	_ =	sdelay $0x1  }
0x99: {  	s4 =	simm.s32 $_scs_section_size  }
0x9a: {  	s5 =	simm.s32 $_size__tile_overlayer_lowered;
	s6 =	simm.s32 $_tile_overlayer_lowered  }
0x9b: {  	s22 =	simm.s32 $0x1BFF;
	s21 =	sshll.u32 s6, $0x1;
	s3 =	sadd.s32 s4, s19  }
0x9c: {  	s7 =	simm.s32 $0x0;
	s20 =	sshll.u32 s5, $0x1;
	s5 =	sadd.s32 s21, s3  }
0x9d: {  	[timem:s7], [sflag:s22] =	dma.local [hbm:s5], s20  }
0x9e: {  	_ =	swait.ge [sflag:s22], s20  }
0x9f: {  	s4 =	ssub.s32 $0x0, s20;
	[sflag:s22] =	ssyncset.done $0x0  }
0xa0: {  	[sflag:s22] =	ssyncadd.s32 s4;
	_ =	sdelay $0x1  }
0xa1: {  	s23 =	simm.s32 $0x1B8B  }
0xa2: {  	_ =	swait.ge [sflag:s23], $0x1  }
0xa3: {  	[sflag:s23] =	ssyncset.done $0x0  }
0xa4: {  	s25 =	simm.s32 $0x1B8E;
	s24 =	sld [smem:$0x3FFE];
	[sflag:s23] =	ssyncadd.s32 $0xFFFFFFFF  }
0xa5: {  	s26 =	simm.s32 $execute0_lowered;
	[smem:$0x3FD2] =	sst s25  }
0xa6: {  	s5 =	sshll.u32 s26, $0x1;
	_ =	strace $0x80000046;
	[dreg:$0x1] =	wrdreg $0xFFFFFFFF  }
0xa7: {  	s28 =	simm.s32 $_size_execute0_lowered;
	s3 =	sadd.s32 s3, s5;
	[dreg:$0x0] =	wrdreg $0x0  }
0xa8: {  	s5 =	sshll.u32 s28, $0x1;
	[dreg:$0x2] =	wrdreg s3  }
0xa9: {  	[dreg:$0x3] =	wrdreg s5  }
0xaa: {  	[dreg:$0x4] =	wrdreg $0xC0  }
0xab: {  	_ =	task [dreg:s7], $0x5FFFF  }
0xac: {  	[dreg:$0x1] =	wrdreg $0xFFFFFFFF  }
0xad: {  	[dreg:$0x0] =	wrdreg $0x60  }
0xae: {  	[dreg:$0x2] =	wrdreg s24  }
0xaf: {  	[dreg:$0x3] =	wrdreg s2  }
0xb0: {  	[dreg:$0x4] =	wrdreg $0x104000  }
0xb1: {  	[dreg:$0x5] =	wrdreg $0x9  }
0xb2: {  	_ =	task.clear_ibuf [dreg:s7], $0x6FFFF;
	_ =	strace $0x90000046  }
0xb3: {  	s29 =	simm.s32 $0x9;
	_ =	strace $0x80000048  }
0xb4: {  	_ =	swait.ge [sflag:s29], $0x1  }
0xb5: {  	[sflag:s29] =	ssyncadd.s32 $0xFFFFFFFF  }
0xb6: {  	_ =	strace $0x90000048  }
0xb7: {  	_ =	sfence  }
0xb8: {  	s30 =	sld [smem:$0x0];
	_ =	sdelay $0x2  }
0xb9: {  	s31 =	sshll.u32 s1, $0xD;
	s1 =	sshrl.u32 s1, $0x2  }
0xba: {  	s3 =	sand.u32 $0x4000, s31;
	s1 =	sadd.s32 s1, s30  }
0xbb: {  	s0 =	sor.u32 s3, s0;
	s1 =	sshll.u32 s1, $0x11  }
0xbc: {  	s0 =	sor.u32 s1, s0  }
0xbd: {  	s0 =	sadd.s32 $0x8F2B, s0  }
0xbe: {  	[sflag:s0] =	ssyncadd.remote.s32 $0x1  }
0xbf: {  	_ =	sfence.sel $0xFFFF  }
0xc0: {  	[dreg:$0x0] =	wrdreg $0xFFFFFFFF;
	(pc) =	sbr.abs _section_cstart, $3  }
0xc1: {  	[dreg:$0x1] =	wrdreg $0xFFFFFFFF  }
0xc2: {  	_ =	task.clear_ibuf [dreg:s7], $0x2FFFF;
	_ =	strace $0x9FFFFFFF  }
0xc3: {  	(tm) =	ssettm $0x7FFFFFFF  }
tec
execute0_lowered:
.L_overlay_start_1:
0x0: {  	(tag) =	ssettag $0x1  }
0x1: {  	s4 =	rddreg [dreg:$0x0];
	s0 =	stileid.u32  }
0x2: {  	s5 =	srdreg.scid;
	s21 =	smul.u32 $0x190000, s0  }
0x3: {  	s3 =	rddreg [dreg:$0x1];
	s5 =	sand.u32 $0x1, s5;
	s24 =	smul.u32 $0xC80000, s0  }
0x4: {  	s1 =	rddreg [dreg:$0x2];
	s2 =	simm.s32 $0x0;
	s25 =	smul.u32 $0x640000, s5  }
0x5: {  	s28 =	simm.s32 $0x400;
	s30 =	simm.s32 $0x100;
	s26 =	smul.u32 $0xC8000, s5  }
0x6: {  	s31 =	simm.s32 $0x4400;
	s6 =	sshll.u32 s0, $0x1;
	s15 =	smul.u32 $0x320, s5  }
0x7: {  	s6 =	sor.u32 s5, s6;
	s17 =	ssub.s32 $0x2, s5;
	s5 =	smul.u32 $0x19000, s5  }
0x8: {  	[smem:$0x7FF] =	sst s2;
	s7 =	sadd.s32 $0xA00, s4;
	s8 =	smul.u32 $0x3200, s6  }
0x9: {  	s4 =	sadd.s32 $0x2A00, s4;
	p0 =	sne.s32 s0, $0x0;
	s10 =	smul.u32 $0xC8000, s6  }
0xa: {  	_ =	strace $0x80000047;
	[dreg:$0x8] =	wrdreg s7;
	s18 =	smul.u32 $0x19000, s6  }
0xb: {  	s9 =	sshrl.u32 s17, $0x1;
	s6 =	smul.u32 $0x640000, s6;
	s11 =	sadd.s32 s3, s10  }
0xc: {  	s7 =	ssub.s32 s17, s9;
	s12 =	sadd.s32 s4, s8;
	[dreg:$0xb] =	wrdreg s11  }
0xd: {  	s17 =	smul.u32 $0x32000, s0;
	s8 =	sadd.s32 $0x20, s12;
	[dreg:$0x9] =	wrdreg s12  }
0xe: {  	s6 =	sshrl.u32 s6, $0x3;
	s19 =	sadd.s32 $0x40, s12;
	[dreg:$0xa] =	wrdreg s8  }
0xf: {  	s10 =	sadd.s32 s25, s24;
	s20 =	sadd.s32 $0x800, s11;
	[dreg:$0xc] =	wrdreg s19  }
0x10: {  	s9 =	sshrl.u32 s18, $0x3;
	s22 =	sadd.s32 $0x60, s12;
	[dreg:$0xd] =	wrdreg s20  }
0x11: {  	s23 =	sadd.s32 $0x1000, s11;
	s13 =	sadd.s32 $0x80, s12;
	[dreg:$0xe] =	wrdreg s22  }
0x12: {  	s11 =	sadd.s32 $0x1800, s11;
	s12 =	sadd.s32 $0xA0, s12;
	[dreg:$0xf] =	wrdreg s23  }
0x13: {  	s6 =	sadd.s32 s3, s6;
	s16 =	sor.u32 $0x1C000, s10;
	[dreg:$0x10] =	wrdreg s13  }
0x14: {  	s9 =	sadd.s32 s4, s9;
	s5 =	sadd.s32 s5, s17;
	[dreg:$0x11] =	wrdreg s11  }
0x15: {  	s17 =	simm.s32 $0x4;
	[dreg:$0x12] =	wrdreg s12;
	s8 =	sadd.s32 s21, s3  }
0x16: {  	s29 =	sadd.s32 $0xC6000, s6;
	s12 =	sor.u32 $0x10000, s10;
	s13 =	smul.u32 $0x640, s0  }
0x17: {  	s18 =	sadd.s32 $0x31C0, s9;
	s19 =	sor.u32 $0x18000, s10;
	[dreg:$0x13] =	wrdreg s29  }
0x18: {  	s20 =	sadd.s32 $0xC6800, s6;
	s9 =	sadd.s32 $0x31E0, s9;
	[dreg:$0x14] =	wrdreg s18  }
0x19: {  	s21 =	sadd.s32 $0xC7000, s6;
	s6 =	sadd.s32 $0xC7800, s6;
	[dreg:$0x15] =	wrdreg s20  }
0x1a: {  	s22 =	smax.u32 s7, $0x1;
	s24 =	sor.u32 $0x700, s5;
	[dreg:$0x16] =	wrdreg s9  }
0x1b: {  	s5 =	sor.u32 $0x600, s5;
	s7 =	simm.s32 $0x200;
	[dreg:$0x17] =	wrdreg s21  }
0x1c: {  	s10 =	simm.s32 $0xE400;
	s8 =	sadd.s32 s26, s8;
	[dreg:$0x18] =	wrdreg s6  }
0x1d: {  	s11 =	sshrl.u32 s12, $0x3;
	[dreg:$0x19] =	wrdreg s22;
	s5 =	sshrl.u32 s5, $0x3  }
0x1e: {  	s12 =	simm.s32 $0x300;
	s18 =	simm.s32 $0x6;
	s20 =	simm.s32 $0x8  }
0x1f: {  	s9 =	simm.s32 $0x380;
	s8 =	sadd.s32 $0x2800, s8;
	s14 =	sadd.s32 s11, s3  }
0x20: {  	s11 =	sadd.s32 s15, s13;
	s25 =	sadd.s32 s5, s4;
	s5 =	simm.s32 $0x1  }
0x21: {  	s13 =	simm.s32 $0xC400;
	s15 =	simm.s32 $0xA400;
	[dreg:$0x4] =	wrdreg s8  }
0x22: {  	[dreg:$0x5] =	wrdreg s14;
	s8 =	sshrl.u32 s16, $0x3;
	s23 =	sshll.u32 s11, $0x4  }
0x23: {  	[dreg:$0x1b] =	wrdreg s25;
	s25 =	simm.s32 $0x9;
	s11 =	simm.s32 $0x2  }
0x24: {  	s16 =	simm.s32 $0x3;
	s8 =	sadd.s32 s8, s3;
	s6 =	sadd.s32 s23, s4  }
0x25: {  	s14 =	simm.s32 $0x280;
	[dreg:$0x6] =	wrdreg s8;
	s26 =	sadd.s32 $0x120, s6  }
0x26: {  	s8 =	sshrl.u32 s19, $0x3;
	s29 =	sadd.s32 $0x100, s6;
	[dreg:$0x1c] =	wrdreg s26  }
0x27: {  	s6 =	simm.s32 $0x5;
	s3 =	sadd.s32 s8, s3;
	[dreg:$0x1d] =	wrdreg s29  }
0x28: {  	s19 =	simm.s32 $0x7;
	[dreg:$0x7] =	wrdreg s3;
	s3 =	sshrl.u32 s24, $0x3  }
0x29: {  	s26 =	simm.s32 $0x80;
	s8 =	simm.s32 $0x8400;
	s3 =	sadd.s32 s3, s4  }
0x2a: {  	s4 =	simm.s32 $0x0;
	[dreg:$0x1a] =	wrdreg s3;
	s3 =	simm.s32 $0x2400  }
.LBB2_1:
0x2b: {  	[dreg:$0x1e] =	wrdreg s4  }
0x2c: {  	s4 =	sshrl.u32 @!p0 s1, $0x3;
	s21 =	simm.s32 @!p0 $0x1C09;
	s0 =	rddreg [dreg:$0x8]  }
0x2d: {  	[spmem:s4], [sflag:s21] =	dma.local @!p0 [hbm:s0], $0x1F40  }
0x2e: {  	s4 =	simm.s32 @!p0 $0x9  }
0x2f: {  	_ =	swait.ge @!p0 [sflag:s4], $0x1F40  }
0x30: {  	[sflag:s4] =	ssyncset.done @!p0 $0x0  }
0x31: {  	[sflag:s4] =	ssyncadd.s32 @!p0 $0xFFFFE0C0  }
0x32: {  	[bflag:$0x0] =	sbarrier.arrive $0xFFFF  }
0x33: {  	s22 =	rddreg [dreg:$0x9]  }
0x34: {  	[tilespmem:s2], [sflag:$0x9] =	stream.linear.gather [hbm4b:s22+s2], $0x100, $0x38;
	[tilespmem:$0x113A0] =	vst v63  }
0x35: {  	_ =	swait.ge [sflag:s25], $0x100  }
0x36: {  	[sflag:s25] =	ssyncset.done $0x0  }
0x37: {  	[sflag:s25] =	ssyncadd.s32 $0xFFFFFF00  }
0x38: {  	[tilespmem:s28], [sflag:$0x1] =	stream.indirect.gather [spmem:s1], $0x40, s2, s26, $0xb8;
	[tilespmem:$0x113A0] =	vst v63  }
0x39: {  	_ = 	snop  }
0x3a: {  	[tilespmem:s3], [sflag:$0x1] =	stream.indirect.gather [spmem:s1], $0x40, s26, s26, $0xb8;
	[tilespmem:$0x113A0] =	vst v63  }
0x3b: {  	s23 =	rddreg [dreg:$0xa]  }
0x3c: {  	[tilespmem:s30], [sflag:$0x9] =	stream.linear.gather [hbm4b:s23+s2], $0x100, $0x38;
	[tilespmem:$0x113A0] =	vst v63  }
0x3d: {  	_ =	swait.ge [sflag:s25], $0x100  }
0x3e: {  	[sflag:s25] =	ssyncset.done $0x0  }
0x3f: {  	[sflag:s25] =	ssyncadd.s32 $0xFFFFFF00  }
0x40: {  	[tilespmem:s31], [sflag:$0x2] =	stream.indirect.gather [spmem:s1], $0x40, s30, s26, $0xb8;
	[tilespmem:$0x113A0] =	vst v63  }
0x41: {  	s21 =	simm.s32 $0x6400;
	s4 =	simm.s32 $0x180  }
0x42: {  	[tilespmem:s21], [sflag:$0x2] =	stream.indirect.gather [spmem:s1], $0x40, s4, s26, $0xb8;
	[tilespmem:$0x113A0] =	vst v63  }
0x43: {  	_ =	swait.ge [sflag:s5], $0x2000  }
0x44: {  	[sflag:s5] =	ssyncset.done $0x0  }
0x45: {  	[sflag:s5] =	ssyncadd.s32 $0xFFFFE000  }
0x46: {  	_ =	swait.ge [sflag:s5], $0x2000  }
0x47: {  	[sflag:s5] =	ssyncset.done $0x0  }
0x48: {  	s24 =	rddreg [dreg:$0xb];
	[sflag:s5] =	ssyncadd.s32 $0xFFFFE000  }
0x49: {  	[hbm4b:s24+s2] =	stream.linear.scatter [tilespmem:s28], [sflag:$0x5], $0x4000, $0x38;
	[tilespmem:$0x113A0] =	vst v63  }
0x4a: {  	s29 =	rddreg [dreg:$0xc]  }
0x4b: {  	[tilespmem:s7], [sflag:$0x9] =	stream.linear.gather [hbm4b:s29+s2], $0x100, $0x38;
	[tilespmem:$0x113A0] =	vst v63  }
0x4c: {  	_ =	swait.ge [sflag:s25], $0x100  }
0x4d: {  	[sflag:s25] =	ssyncset.done $0x0  }
0x4e: {  	[sflag:s25] =	ssyncadd.s32 $0xFFFFFF00  }
0x4f: {  	[tilespmem:s8], [sflag:$0x3] =	stream.indirect.gather [spmem:s1], $0x40, s7, s26, $0xb8;
	[tilespmem:$0x113A0] =	vst v63  }
0x50: {  	s23 =	simm.s32 $0x280;
	s24 =	simm.s32 $0xA400  }
0x51: {  	[tilespmem:s24], [sflag:$0x3] =	stream.indirect.gather [spmem:s1], $0x40, s23, s26, $0xb8;
	[tilespmem:$0x113A0] =	vst v63  }
0x52: {  	_ =	swait.ge [sflag:s11], $0x2000  }
0x53: {  	[sflag:s11] =	ssyncset.done $0x0  }
0x54: {  	[sflag:s11] =	ssyncadd.s32 $0xFFFFE000  }
0x55: {  	_ =	swait.ge [sflag:s11], $0x2000  }
0x56: {  	[sflag:s11] =	ssyncset.done $0x0  }
0x57: {  	s22 =	rddreg [dreg:$0xd];
	[sflag:s11] =	ssyncadd.s32 $0xFFFFE000  }
0x58: {  	[hbm4b:s22+s2] =	stream.linear.scatter [tilespmem:s31], [sflag:$0x6], $0x4000, $0x38;
	[tilespmem:$0x113A0] =	vst v63  }
0x59: {  	s29 =	rddreg [dreg:$0xe]  }
0x5a: {  	[tilespmem:s12], [sflag:$0x9] =	stream.linear.gather [hbm4b:s29+s2], $0x100, $0x38;
	[tilespmem:$0x113A0] =	vst v63  }
0x5b: {  	_ =	swait.ge [sflag:s25], $0x100  }
0x5c: {  	[sflag:s25] =	ssyncset.done $0x0  }
0x5d: {  	[sflag:s25] =	ssyncadd.s32 $0xFFFFFF00  }
0x5e: {  	[tilespmem:s13], [sflag:$0x4] =	stream.indirect.gather [spmem:s1], $0x40, s12, s26, $0xb8;
	[tilespmem:$0x113A0] =	vst v63  }
0x5f: {  	s22 =	simm.s32 $0x380;
	s29 =	simm.s32 $0xE400  }
0x60: {  	[tilespmem:s29], [sflag:$0x4] =	stream.indirect.gather [spmem:s1], $0x40, s22, s26, $0xb8;
	[tilespmem:$0x113A0] =	vst v63  }
0x61: {  	_ =	swait.ge [sflag:s16], $0x2000  }
0x62: {  	[sflag:s16] =	ssyncset.done $0x0  }
0x63: {  	[sflag:s16] =	ssyncadd.s32 $0xFFFFE000  }
0x64: {  	_ =	swait.ge [sflag:s16], $0x2000  }
0x65: {  	[sflag:s16] =	ssyncset.done $0x0  }
0x66: {  	s22 =	rddreg [dreg:$0xf];
	[sflag:s16] =	ssyncadd.s32 $0xFFFFE000  }
0x67: {  	[hbm4b:s22+s2] =	stream.linear.scatter [tilespmem:s8], [sflag:$0x7], $0x4000, $0x38;
	[tilespmem:$0x113A0] =	vst v63  }
0x68: {  	_ =	swait.ge [sflag:s6], $0x4000  }
0x69: {  	[sflag:s6] =	ssyncset.done $0x0  }
0x6a: {  	s22 =	rddreg [dreg:$0x10];
	[sflag:s6] =	ssyncadd.s32 $0xFFFFC000  }
0x6b: {  	[tilespmem:s2], [sflag:$0x9] =	stream.linear.gather [hbm4b:s22+s2], $0x100, $0x38;
	[tilespmem:$0x113A0] =	vst v63  }
0x6c: {  	_ =	swait.ge [sflag:s25], $0x100  }
0x6d: {  	[sflag:s25] =	ssyncset.done $0x0  }
0x6e: {  	[sflag:s25] =	ssyncadd.s32 $0xFFFFFF00  }
0x6f: {  	[tilespmem:s28], [sflag:$0x1] =	stream.indirect.gather [spmem:s1], $0x40, s2, s26, $0xb8;
	[tilespmem:$0x113A0] =	vst v63  }
0x70: {  	_ = 	snop  }
0x71: {  	[tilespmem:s3], [sflag:$0x1] =	stream.indirect.gather [spmem:s1], $0x40, s26, s26, $0xb8;
	[tilespmem:$0x113A0] =	vst v63  }
0x72: {  	_ =	swait.ge [sflag:s17], $0x2000  }
0x73: {  	[sflag:s17] =	ssyncset.done $0x0  }
0x74: {  	[sflag:s17] =	ssyncadd.s32 $0xFFFFE000  }
0x75: {  	_ =	swait.ge [sflag:s17], $0x2000  }
0x76: {  	[sflag:s17] =	ssyncset.done $0x0  }
0x77: {  	s22 =	rddreg [dreg:$0x11];
	[sflag:s17] =	ssyncadd.s32 $0xFFFFE000  }
0x78: {  	[hbm4b:s22+s2] =	stream.linear.scatter [tilespmem:s13], [sflag:$0x8], $0x4000, $0x38;
	[tilespmem:$0x113A0] =	vst v63  }
0x79: {  	_ =	swait.ge [sflag:s18], $0x4000  }
0x7a: {  	[sflag:s18] =	ssyncset.done $0x0  }
0x7b: {  	s22 =	rddreg [dreg:$0x12];
	[sflag:s18] =	ssyncadd.s32 $0xFFFFC000  }
0x7c: {  	[tilespmem:s30], [sflag:$0x9] =	stream.linear.gather [hbm4b:s22+s2], $0x100, $0x38;
	[tilespmem:$0x113A0] =	vst v63  }
0x7d: {  	_ =	swait.ge [sflag:s25], $0x100  }
0x7e: {  	[sflag:s25] =	ssyncset.done $0x0  }
0x7f: {  	[sflag:s25] =	ssyncadd.s32 $0xFFFFFF00  }
0x80: {  	[tilespmem:s31], [sflag:$0x2] =	stream.indirect.gather [spmem:s1], $0x40, s30, s26, $0xb8;
	[tilespmem:$0x113A0] =	vst v63  }
0x81: {  	_ = 	snop  }
0x82: {  	[tilespmem:s21], [sflag:$0x2] =	stream.indirect.gather [spmem:s1], $0x40, s4, s26, $0xb8;
	[tilespmem:$0x113A0] =	vst v63  }
0x83: {  	_ =	swait.ge [sflag:s5], $0x2000  }
0x84: {  	[sflag:s5] =	ssyncset.done $0x0  }
0x85: {  	[sflag:s5] =	ssyncadd.s32 $0xFFFFE000  }
0x86: {  	_ =	swait.ge [sflag:s5], $0x2000  }
0x87: {  	s22 =	rddreg [dreg:$0x5];
	[sflag:s5] =	ssyncset.done $0x0  }
0x88: {  	[sflag:s5] =	ssyncadd.s32 $0xFFFFE000;
	s4 =	sadd.s32 $0x0, s22  }
0x89: {  	[hbm4b:s4+s2] =	stream.linear.scatter [tilespmem:s28], [sflag:$0x5], $0x4000, $0x38;
	[tilespmem:$0x113A0] =	vst v63  }
0x8a: {  	_ =	swait.ge [sflag:s19], $0x4000  }
0x8b: {  	[sflag:s19] =	ssyncset.done $0x0  }
0x8c: {  	s22 =	rddreg [dreg:$0x1b];
	[sflag:s19] =	ssyncadd.s32 $0xFFFFC000  }
0x8d: {  	[tilespmem:s7], [sflag:$0x9] =	stream.linear.gather [hbm4b:s22+s2], $0x100, $0x38;
	[tilespmem:$0x113A0] =	vst v63  }
0x8e: {  	_ =	swait.ge [sflag:s25], $0x100  }
0x8f: {  	[sflag:s25] =	ssyncset.done $0x0  }
0x90: {  	[sflag:s25] =	ssyncadd.s32 $0xFFFFFF00  }
0x91: {  	[tilespmem:s8], [sflag:$0x3] =	stream.indirect.gather [spmem:s1], $0x40, s7, s26, $0xb8;
	[tilespmem:$0x113A0] =	vst v63  }
0x92: {  	_ = 	snop  }
0x93: {  	[tilespmem:s24], [sflag:$0x3] =	stream.indirect.gather [spmem:s1], $0x40, s23, s26, $0xb8;
	[tilespmem:$0x113A0] =	vst v63  }
0x94: {  	_ =	swait.ge [sflag:s11], $0x2000  }
0x95: {  	[sflag:s11] =	ssyncset.done $0x0  }
0x96: {  	[sflag:s11] =	ssyncadd.s32 $0xFFFFE000  }
0x97: {  	_ =	swait.ge [sflag:s11], $0x2000  }
0x98: {  	s23 =	rddreg [dreg:$0x4];
	[sflag:s11] =	ssyncset.done $0x0  }
0x99: {  	[sflag:s11] =	ssyncadd.s32 $0xFFFFE000;
	s4 =	sadd.s32 $0x0, s23  }
0x9a: {  	[hbm4b:s4+s2] =	stream.linear.scatter [tilespmem:s31], [sflag:$0x6], $0x4000, $0x38;
	[tilespmem:$0x113A0] =	vst v63  }
0x9b: {  	_ =	swait.ge [sflag:s20], $0x4000  }
0x9c: {  	[sflag:s20] =	ssyncset.done $0x0  }
0x9d: {  	s0 =	rddreg [dreg:$0x1a];
	[sflag:s20] =	ssyncadd.s32 $0xFFFFC000  }
0x9e: {  	[tilespmem:s12], [sflag:$0x9] =	stream.linear.gather [hbm4b:s0+s2], $0x100, $0x38;
	[tilespmem:$0x113A0] =	vst v63  }
0x9f: {  	_ =	swait.ge [sflag:s25], $0x100  }
0xa0: {  	[sflag:s25] =	ssyncset.done $0x0  }
0xa1: {  	[sflag:s25] =	ssyncadd.s32 $0xFFFFFF00  }
0xa2: {  	[tilespmem:s13], [sflag:$0x4] =	stream.indirect.gather [spmem:s1], $0x40, s12, s26, $0xb8;
	[tilespmem:$0x113A0] =	vst v63  }
0xa3: {  	s24 =	simm.s32 $0x380  }
0xa4: {  	[tilespmem:s29], [sflag:$0x4] =	stream.indirect.gather [spmem:s1], $0x40, s24, s26, $0xb8;
	[tilespmem:$0x113A0] =	vst v63  }
0xa5: {  	_ =	swait.ge [sflag:s16], $0x2000  }
0xa6: {  	[sflag:s16] =	ssyncset.done $0x0  }
0xa7: {  	[sflag:s16] =	ssyncadd.s32 $0xFFFFE000  }
0xa8: {  	_ =	swait.ge [sflag:s16], $0x2000  }
0xa9: {  	s21 =	rddreg [dreg:$0x7];
	[sflag:s16] =	ssyncset.done $0x0  }
0xaa: {  	[sflag:s16] =	ssyncadd.s32 $0xFFFFE000;
	s4 =	sadd.s32 $0x0, s21  }
0xab: {  	[hbm4b:s4+s2] =	stream.linear.scatter [tilespmem:s8], [sflag:$0x7], $0x4000, $0x38;
	[tilespmem:$0x113A0] =	vst v63  }
0xac: {  	_ =	swait.ge [sflag:s6], $0x4000  }
0xad: {  	[sflag:s6] =	ssyncset.done $0x0  }
0xae: {  	s24 =	rddreg [dreg:$0x1d];
	[sflag:s6] =	ssyncadd.s32 $0xFFFFC000  }
0xaf: {  	[tilespmem:s2], [sflag:$0x9] =	stream.linear.gather [hbm4b:s24+s2], $0x100, $0x38;
	[tilespmem:$0x113A0] =	vst v63  }
0xb0: {  	_ =	swait.ge [sflag:s25], $0x100  }
0xb1: {  	[sflag:s25] =	ssyncset.done $0x0  }
0xb2: {  	[sflag:s25] =	ssyncadd.s32 $0xFFFFFF00  }
0xb3: {  	[tilespmem:s28], [sflag:$0x1] =	stream.indirect.gather [spmem:s1], $0x40, s2, s26, $0xb8;
	[tilespmem:$0x113A0] =	vst v63  }
0xb4: {  	_ = 	snop  }
0xb5: {  	[tilespmem:s3], [sflag:$0x1] =	stream.indirect.gather [spmem:s1], $0x40, s26, s26, $0xb8;
	[tilespmem:$0x113A0] =	vst v63  }
0xb6: {  	_ =	swait.ge [sflag:s17], $0x2000  }
0xb7: {  	[sflag:s17] =	ssyncset.done $0x0  }
0xb8: {  	[sflag:s17] =	ssyncadd.s32 $0xFFFFE000  }
0xb9: {  	_ =	swait.ge [sflag:s17], $0x2000  }
0xba: {  	s23 =	rddreg [dreg:$0x6];
	[sflag:s17] =	ssyncset.done $0x0  }
0xbb: {  	[sflag:s17] =	ssyncadd.s32 $0xFFFFE000;
	s4 =	sadd.s32 $0x0, s23  }
0xbc: {  	[hbm4b:s4+s2] =	stream.linear.scatter [tilespmem:s13], [sflag:$0x8], $0x4000, $0x38;
	[tilespmem:$0x113A0] =	vst v63  }
0xbd: {  	_ =	swait.ge [sflag:s18], $0x4000  }
0xbe: {  	[sflag:s18] =	ssyncset.done $0x0  }
0xbf: {  	s29 =	rddreg [dreg:$0x1c];
	[sflag:s18] =	ssyncadd.s32 $0xFFFFC000  }
0xc0: {  	[tilespmem:s30], [sflag:$0x9] =	stream.linear.gather [hbm4b:s29+s2], $0x100, $0x38;
	[tilespmem:$0x113A0] =	vst v63  }
0xc1: {  	s22 =	sadd.s32 $0x80, s22;
	s21 =	simm.s32 $0x2000;
	_ =	swait.ge [sflag:s25], $0x100  }
0xc2: {  	s24 =	sadd.s32 $0x80, s24;
	s3 =	simm.s32 $0x2400;
	[sflag:s25] =	ssyncset.done $0x0  }
0xc3: {  	s4 =	sadd.s32 $0x80, s0;
	s23 =	sadd.s32 $0x80, s29;
	[sflag:s25] =	ssyncadd.s32 $0xFFFFFF00  }
0xc4: {  	[tilespmem:s31], [sflag:$0x2] =	stream.indirect.gather [spmem:s1], $0x40, s30, s26, $0xb8;
	[tilespmem:$0x113A0] =	vst v63  }
.LBB2_2:
0xc5: {  	s0 =	simm.s32 $0x180;
	s29 =	simm.s32 $0x6400  }
0xc6: {  	[tilespmem:s29], [sflag:$0x2] =	stream.indirect.gather [spmem:s1], $0x40, s0, s26, $0xb8;
	[tilespmem:$0x113A0] =	vst v63  }
0xc7: {  	_ =	swait.ge [sflag:s5], $0x2000  }
0xc8: {  	[sflag:s5] =	ssyncset.done $0x0  }
0xc9: {  	[sflag:s5] =	ssyncadd.s32 $0xFFFFE000  }
0xca: {  	_ =	swait.ge [sflag:s5], $0x2000  }
0xcb: {  	s29 =	smov.u32 s21;
	s0 =	rddreg [dreg:$0x5];
	[sflag:s5] =	ssyncset.done $0x0  }
0xcc: {  	[sflag:s5] =	ssyncadd.s32 $0xFFFFE000;
	s0 =	sadd.s32 s29, s0  }
0xcd: {  	[hbm4b:s0+s2] =	stream.linear.scatter [tilespmem:s28], [sflag:$0x5], $0x4000, $0x38;
	[tilespmem:$0x113A0] =	vst v63  }
0xce: {  	_ =	swait.ge [sflag:s19], $0x4000  }
0xcf: {  	[sflag:s19] =	ssyncset.done $0x0  }
0xd0: {  	[sflag:s19] =	ssyncadd.s32 $0xFFFFC000  }
0xd1: {  	[tilespmem:s7], [sflag:$0x9] =	stream.linear.gather [hbm4b:s22+s2], $0x100, $0x38;
	[tilespmem:$0x113A0] =	vst v63  }
0xd2: {  	_ =	swait.ge [sflag:s25], $0x100  }
0xd3: {  	[sflag:s25] =	ssyncset.done $0x0  }
0xd4: {  	[sflag:s25] =	ssyncadd.s32 $0xFFFFFF00  }
0xd5: {  	[tilespmem:s8], [sflag:$0x3] =	stream.indirect.gather [spmem:s1], $0x40, s7, s26, $0xb8;
	[tilespmem:$0x113A0] =	vst v63  }
0xd6: {  	_ = 	snop  }
0xd7: {  	[tilespmem:s15], [sflag:$0x3] =	stream.indirect.gather [spmem:s1], $0x40, s14, s26, $0xb8;
	[tilespmem:$0x113A0] =	vst v63  }
0xd8: {  	_ =	swait.ge [sflag:s11], $0x2000  }
0xd9: {  	[sflag:s11] =	ssyncset.done $0x0  }
0xda: {  	[sflag:s11] =	ssyncadd.s32 $0xFFFFE000  }
0xdb: {  	_ =	swait.ge [sflag:s11], $0x2000  }
0xdc: {  	s0 =	rddreg [dreg:$0x4];
	[sflag:s11] =	ssyncset.done $0x0  }
0xdd: {  	[sflag:s11] =	ssyncadd.s32 $0xFFFFE000;
	s0 =	sadd.s32 s29, s0  }
0xde: {  	[hbm4b:s0+s2] =	stream.linear.scatter [tilespmem:s31], [sflag:$0x6], $0x4000, $0x38;
	[tilespmem:$0x113A0] =	vst v63  }
0xdf: {  	_ =	swait.ge [sflag:s20], $0x4000  }
0xe0: {  	[sflag:s20] =	ssyncset.done $0x0  }
0xe1: {  	[sflag:s20] =	ssyncadd.s32 $0xFFFFC000  }
0xe2: {  	[tilespmem:s12], [sflag:$0x9] =	stream.linear.gather [hbm4b:s4+s2], $0x100, $0x38;
	[tilespmem:$0x113A0] =	vst v63  }
0xe3: {  	_ =	swait.ge [sflag:s25], $0x100  }
0xe4: {  	[sflag:s25] =	ssyncset.done $0x0  }
0xe5: {  	[sflag:s25] =	ssyncadd.s32 $0xFFFFFF00  }
0xe6: {  	[tilespmem:s13], [sflag:$0x4] =	stream.indirect.gather [spmem:s1], $0x40, s12, s26, $0xb8;
	[tilespmem:$0x113A0] =	vst v63  }
0xe7: {  	_ = 	snop  }
0xe8: {  	[tilespmem:s10], [sflag:$0x4] =	stream.indirect.gather [spmem:s1], $0x40, s9, s26, $0xb8;
	[tilespmem:$0x113A0] =	vst v63  }
0xe9: {  	_ =	swait.ge [sflag:s16], $0x2000  }
0xea: {  	[sflag:s16] =	ssyncset.done $0x0  }
0xeb: {  	[sflag:s16] =	ssyncadd.s32 $0xFFFFE000  }
0xec: {  	_ =	swait.ge [sflag:s16], $0x2000  }
0xed: {  	s0 =	rddreg [dreg:$0x7];
	[sflag:s16] =	ssyncset.done $0x0  }
0xee: {  	[sflag:s16] =	ssyncadd.s32 $0xFFFFE000;
	s0 =	sadd.s32 s29, s0  }
0xef: {  	[hbm4b:s0+s2] =	stream.linear.scatter [tilespmem:s8], [sflag:$0x7], $0x4000, $0x38;
	[tilespmem:$0x113A0] =	vst v63  }
0xf0: {  	_ =	swait.ge [sflag:s6], $0x4000  }
0xf1: {  	[sflag:s6] =	ssyncset.done $0x0  }
0xf2: {  	[sflag:s6] =	ssyncadd.s32 $0xFFFFC000  }
0xf3: {  	[tilespmem:s2], [sflag:$0x9] =	stream.linear.gather [hbm4b:s24+s2], $0x100, $0x38;
	[tilespmem:$0x113A0] =	vst v63  }
0xf4: {  	_ =	swait.ge [sflag:s25], $0x100  }
0xf5: {  	[sflag:s25] =	ssyncset.done $0x0  }
0xf6: {  	[sflag:s25] =	ssyncadd.s32 $0xFFFFFF00  }
0xf7: {  	[tilespmem:s28], [sflag:$0x1] =	stream.indirect.gather [spmem:s1], $0x40, s2, s26, $0xb8;
	[tilespmem:$0x113A0] =	vst v63  }
0xf8: {  	_ = 	snop  }
0xf9: {  	[tilespmem:s3], [sflag:$0x1] =	stream.indirect.gather [spmem:s1], $0x40, s26, s26, $0xb8;
	[tilespmem:$0x113A0] =	vst v63  }
0xfa: {  	_ =	swait.ge [sflag:s17], $0x2000  }
0xfb: {  	[sflag:s17] =	ssyncset.done $0x0  }
0xfc: {  	[sflag:s17] =	ssyncadd.s32 $0xFFFFE000  }
0xfd: {  	_ =	swait.ge [sflag:s17], $0x2000  }
0xfe: {  	s0 =	rddreg [dreg:$0x6];
	[sflag:s17] =	ssyncset.done $0x0  }
0xff: {  	[sflag:s17] =	ssyncadd.s32 $0xFFFFE000;
	s0 =	sadd.s32 s29, s0  }
0x100: {  	[hbm4b:s0+s2] =	stream.linear.scatter [tilespmem:s13], [sflag:$0x8], $0x4000, $0x38;
	[tilespmem:$0x113A0] =	vst v63  }
0x101: {  	_ =	swait.ge [sflag:s18], $0x4000  }
0x102: {  	[sflag:s18] =	ssyncset.done $0x0  }
0x103: {  	p1 =	sne.s32 s21, $0xC2000;
	[sflag:s18] =	ssyncadd.s32 $0xFFFFC000  }
0x104: {  	[tilespmem:s30], [sflag:$0x9] =	stream.linear.gather [hbm4b:s23+s2], $0x100, $0x38;
	[tilespmem:$0x113A0] =	vst v63  }
.Ltmp0:
0x105: {  	_ = 	snop;
	(pc) =	sbr.rel @p1 .LBB2_2-.Ltmp0, $4  }
0x106: {  	s21 =	sadd.s32 $0x2000, s21;
	_ =	swait.ge [sflag:s25], $0x100  }
0x107: {  	s22 =	sadd.s32 $0x80, s22;
	s4 =	sadd.s32 $0x80, s4;
	[sflag:s25] =	ssyncset.done $0x0  }
0x108: {  	s24 =	sadd.s32 $0x80, s24;
	s23 =	sadd.s32 $0x80, s23;
	[sflag:s25] =	ssyncadd.s32 $0xFFFFFF00  }
0x109: {  	[tilespmem:s31], [sflag:$0x2] =	stream.indirect.gather [spmem:s1], $0x40, s30, s26, $0xb8;
	[tilespmem:$0x113A0] =	vst v63  }
0x10a: {  	s0 =	simm.s32 $0x180;
	s3 =	simm.s32 $0x6400  }
0x10b: {  	[tilespmem:s3], [sflag:$0x2] =	stream.indirect.gather [spmem:s1], $0x40, s0, s26, $0xb8;
	[tilespmem:$0x113A0] =	vst v63  }
0x10c: {  	_ =	swait.ge [sflag:s5], $0x2000  }
0x10d: {  	[sflag:s5] =	ssyncset.done $0x0  }
0x10e: {  	[sflag:s5] =	ssyncadd.s32 $0xFFFFE000  }
0x10f: {  	_ =	swait.ge [sflag:s5], $0x2000  }
0x110: {  	[sflag:s5] =	ssyncset.done $0x0  }
0x111: {  	s3 =	rddreg [dreg:$0x13];
	[sflag:s5] =	ssyncadd.s32 $0xFFFFE000  }
0x112: {  	[hbm4b:s3+s2] =	stream.linear.scatter [tilespmem:s28], [sflag:$0x5], $0x4000, $0x38;
	[tilespmem:$0x113A0] =	vst v63  }
0x113: {  	_ =	swait.ge [sflag:s19], $0x4000  }
0x114: {  	[sflag:s19] =	ssyncset.done $0x0  }
0x115: {  	s4 =	rddreg [dreg:$0x14];
	[sflag:s19] =	ssyncadd.s32 $0xFFFFC000  }
0x116: {  	[tilespmem:s7], [sflag:$0x9] =	stream.linear.gather [hbm4b:s4+s2], $0x100, $0x38;
	[tilespmem:$0x113A0] =	vst v63  }
0x117: {  	_ =	swait.ge [sflag:s25], $0x100  }
0x118: {  	[sflag:s25] =	ssyncset.done $0x0  }
0x119: {  	[sflag:s25] =	ssyncadd.s32 $0xFFFFFF00  }
0x11a: {  	[tilespmem:s8], [sflag:$0x3] =	stream.indirect.gather [spmem:s1], $0x40, s7, s26, $0xb8;
	[tilespmem:$0x113A0] =	vst v63  }
0x11b: {  	_ = 	snop  }
0x11c: {  	[tilespmem:s15], [sflag:$0x3] =	stream.indirect.gather [spmem:s1], $0x40, s14, s26, $0xb8;
	[tilespmem:$0x113A0] =	vst v63  }
0x11d: {  	_ =	swait.ge [sflag:s11], $0x2000  }
0x11e: {  	[sflag:s11] =	ssyncset.done $0x0  }
0x11f: {  	[sflag:s11] =	ssyncadd.s32 $0xFFFFE000  }
0x120: {  	_ =	swait.ge [sflag:s11], $0x2000  }
0x121: {  	[sflag:s11] =	ssyncset.done $0x0  }
0x122: {  	s21 =	rddreg [dreg:$0x15];
	[sflag:s11] =	ssyncadd.s32 $0xFFFFE000  }
0x123: {  	[hbm4b:s21+s2] =	stream.linear.scatter [tilespmem:s31], [sflag:$0x6], $0x4000, $0x38;
	[tilespmem:$0x113A0] =	vst v63  }
0x124: {  	_ =	swait.ge [sflag:s20], $0x4000  }
0x125: {  	[sflag:s20] =	ssyncset.done $0x0  }
0x126: {  	s22 =	rddreg [dreg:$0x16];
	[sflag:s20] =	ssyncadd.s32 $0xFFFFC000  }
0x127: {  	[tilespmem:s12], [sflag:$0x9] =	stream.linear.gather [hbm4b:s22+s2], $0x100, $0x38;
	[tilespmem:$0x113A0] =	vst v63  }
0x128: {  	_ =	swait.ge [sflag:s25], $0x100  }
0x129: {  	[sflag:s25] =	ssyncset.done $0x0  }
0x12a: {  	[sflag:s25] =	ssyncadd.s32 $0xFFFFFF00  }
0x12b: {  	[tilespmem:s13], [sflag:$0x4] =	stream.indirect.gather [spmem:s1], $0x40, s12, s26, $0xb8;
	[tilespmem:$0x113A0] =	vst v63  }
0x12c: {  	_ = 	snop  }
0x12d: {  	[tilespmem:s10], [sflag:$0x4] =	stream.indirect.gather [spmem:s1], $0x40, s9, s26, $0xb8;
	[tilespmem:$0x113A0] =	vst v63  }
0x12e: {  	_ =	swait.ge [sflag:s16], $0x2000  }
0x12f: {  	[sflag:s16] =	ssyncset.done $0x0  }
0x130: {  	[sflag:s16] =	ssyncadd.s32 $0xFFFFE000  }
0x131: {  	_ =	swait.ge [sflag:s16], $0x2000  }
0x132: {  	[sflag:s16] =	ssyncset.done $0x0  }
0x133: {  	s23 =	rddreg [dreg:$0x17];
	[sflag:s16] =	ssyncadd.s32 $0xFFFFE000  }
0x134: {  	[hbm4b:s23+s2] =	stream.linear.scatter [tilespmem:s8], [sflag:$0x7], $0x4000, $0x38;
	[tilespmem:$0x113A0] =	vst v63  }
0x135: {  	_ =	swait.ge [sflag:s6], $0x4000  }
0x136: {  	[sflag:s6] =	ssyncset.done $0x0  }
0x137: {  	[sflag:s6] =	ssyncadd.s32 $0xFFFFC000  }
0x138: {  	_ =	swait.ge [sflag:s17], $0x2000  }
0x139: {  	[sflag:s17] =	ssyncset.done $0x0  }
0x13a: {  	[sflag:s17] =	ssyncadd.s32 $0xFFFFE000  }
0x13b: {  	_ =	swait.ge [sflag:s17], $0x2000  }
0x13c: {  	[sflag:s17] =	ssyncset.done $0x0  }
0x13d: {  	s24 =	rddreg [dreg:$0x18];
	[sflag:s17] =	ssyncadd.s32 $0xFFFFE000  }
0x13e: {  	[hbm4b:s24+s2] =	stream.linear.scatter [tilespmem:s13], [sflag:$0x8], $0x4000, $0x38;
	[tilespmem:$0x113A0] =	vst v63  }
0x13f: {  	_ =	swait.ge [sflag:s18], $0x4000  }
0x140: {  	[sflag:s18] =	ssyncset.done $0x0  }
0x141: {  	[sflag:s18] =	ssyncadd.s32 $0xFFFFC000  }
0x142: {  	_ =	swait.ge [sflag:s19], $0x4000  }
0x143: {  	[sflag:s19] =	ssyncset.done $0x0  }
0x144: {  	[sflag:s19] =	ssyncadd.s32 $0xFFFFC000  }
0x145: {  	_ =	swait.ge [sflag:s20], $0x4000  }
0x146: {  	s4 =	rddreg [dreg:$0x1e]  }
0x147: {  	s29 =	rddreg [dreg:$0x19];
	s4 =	sadd.s32 $0x1, s4  }
0x148: {  	p1 =	sne.s32 s4, s29  }
.Ltmp1:
0x149: {  	_ = 	snop;
	(pc) =	sbr.rel @p1 .LBB2_1-.Ltmp1, $3  }
0x14a: {  	_ =	sdelay $0x1  }
0x14b: {  	[sflag:s20] =	ssyncset.done $0x0  }
0x14c: {  	s3 =	simm.s32 $0x2400;
	[sflag:s20] =	ssyncadd.s32 $0xFFFFC000  }
0x14d: {  	_ =	sfence.sel $0x180000  }
0x14e: {  	[bflag:$0x0] =	sbarrier.arrive $0xFFFF  }
0x14f: {  	_ =	strace $0x90000047  }
0x150: {  	[bflag:$0x2] =	sbarrier.arrive $0xFFFF  }
0x151: {  	s0 =	rddreg [dreg:$0x3]  }
0x152: {  	s0 =	sadd.s32 @!p0 $0x100000, s0  }
0x153: {  	[sflag:s0] =	ssyncadd.tile.s32 @!p0 $0x1;
	_ =	shalt  }
.Lfunc_end2:
_tile_overlayer_lowered:
.L_overlay_start_2:
0x154: {  	(tag) =	ssettag $0x2  }
0x155: {  	s0 =	rddreg [dreg:$0x0];
	s2 =	stileid.u32  }
0x156: {  	s1 =	rddreg [dreg:$0x1];
	p0 =	sne.s32 s2, $0x0  }
0x157: {  	s3 =	rddreg [dreg:$0x2];
	[bflag:$0x3] =	sbarrier.arrive $0xFFFF;
	s2 =	simm.s32 @!p0 $0x1C09  }
0x158: {  	[timem:s3], [sflag:s2] =	dma.local @!p0 [hbm:s0], s1  }
0x159: {  	s0 =	simm.s32 @!p0 $0x9  }
0x15a: {  	_ =	swait.ge @!p0 [sflag:s0], s1  }
0x15b: {  	s1 =	ssub.s32 @!p0 $0x0, s1;
	[sflag:s0] =	ssyncset.done @!p0 $0x0  }
0x15c: {  	[sflag:s0] =	ssyncadd.s32 @!p0 s1  }
0x15d: {  	[bflag:$0x3] =	sbarrier.arrive $0xFFFF  }
0x15e: {  	_ =	shalt  }

// kernel: sparse-core-data-format-call.cloned.1.call-start
scs
called_computation_lowered:
.L_overlay_start_0:
0x0: {  	s2 =	sld [smem:$0x3FD9]  }
0x1: {  	s3 =	sld [smem:$0x3FFE];
	_ =	sdelay $0x1  }
0x2: {  	s1 =	srdreg.scid  }
0x3: {  	s0 =	sand.u32 $0x1, s1  }
0x4: {  	s18 =	sshll.u32 s0, $0xA;
	s2 =	sadd.s32 s3, s2  }
0x5: {  	s2 =	sadd.s32 s2, s18  }
0x6: {  	[smem:$0x3FC5] =	sst s2  }
0x7: {  	_ = 	snop  }
0x8: {  	s2 =	sld [smem:$0x3FD0];
	(tm) =	ssettm $0x1  }
0x9: {  	s19 =	sld [smem:$0x3FFB];
	_ =	sdelay $0x3  }
0xa: {  	_ =	strace s19  }
0xb: {  	s3 =	sld [smem:$0x3FFC];
	_ =	sdelay $0x3  }
0xc: {  	_ =	strace s3  }
0xd: {  	s3 =	sld [smem:$0x3FFD];
	_ =	sdelay $0x3  }
0xe: {  	_ =	strace s3  }
0xf: {  	_ =	strace $0x8FFFFFFF  }
0x10: {  	s20 =	sld [smem:$0x3FDB];
	_ =	sdelay $0x1  }
0x11: {  	s4 =	simm.s32 $_scs_section_size  }
0x12: {  	s5 =	simm.s32 $_size__tile_overlayer_lowered;
	s6 =	simm.s32 $_tile_overlayer_lowered  }
0x13: {  	s23 =	simm.s32 $0x1BFF;
	s22 =	sshll.u32 s6, $0x1;
	s3 =	sadd.s32 s4, s20  }
0x14: {  	s7 =	simm.s32 $0x0;
	s21 =	sshll.u32 s5, $0x1;
	s5 =	sadd.s32 s22, s3  }
0x15: {  	[timem:s7], [sflag:s23] =	dma.local [hbm:s5], s21  }
0x16: {  	_ =	swait.ge [sflag:s23], s21  }
0x17: {  	s4 =	ssub.s32 $0x0, s21;
	[sflag:s23] =	ssyncset.done $0x0  }
0x18: {  	[sflag:s23] =	ssyncadd.s32 s4;
	_ =	sdelay $0x1  }
0x19: {  	s24 =	simm.s32 $0x1B8B  }
0x1a: {  	_ =	swait.ge [sflag:s24], $0x1  }
0x1b: {  	[sflag:s24] =	ssyncset.done $0x0  }
0x1c: {  	s26 =	simm.s32 $0x1B8E;
	s25 =	sld [smem:$0x3FFE];
	[sflag:s24] =	ssyncadd.s32 $0xFFFFFFFF  }
0x1d: {  	s27 =	simm.s32 $execute0_lowered;
	[smem:$0x3FD2] =	sst s26  }
0x1e: {  	s5 =	sshll.u32 s27, $0x1;
	_ =	strace $0x80000049;
	[dreg:$0x1] =	wrdreg $0xFFFFFFFF  }
0x1f: {  	s28 =	simm.s32 $_size_execute0_lowered;
	s3 =	sadd.s32 s3, s5;
	[dreg:$0x0] =	wrdreg $0x0  }
0x20: {  	s5 =	sshll.u32 s28, $0x1;
	[dreg:$0x2] =	wrdreg s3  }
0x21: {  	[dreg:$0x3] =	wrdreg s5  }
0x22: {  	[dreg:$0x4] =	wrdreg $0xC0  }
0x23: {  	_ =	task [dreg:s7], $0x5FFFF  }
0x24: {  	[dreg:$0x1] =	wrdreg $0xFFFFFFFF  }
0x25: {  	[dreg:$0x0] =	wrdreg $0x60  }
0x26: {  	[dreg:$0x2] =	wrdreg s25  }
0x27: {  	[dreg:$0x3] =	wrdreg s2  }
0x28: {  	[dreg:$0x4] =	wrdreg $0x9  }
0x29: {  	_ =	task.clear_ibuf [dreg:s7], $0x5FFFF;
	_ =	strace $0x90000049  }
0x2a: {  	s29 =	simm.s32 $0x9;
	_ =	strace $0x8000004B  }
0x2b: {  	_ =	swait.ge [sflag:s29], $0x1  }
0x2c: {  	[sflag:s29] =	ssyncadd.s32 $0xFFFFFFFF  }
0x2d: {  	_ =	strace $0x9000004B  }
0x2e: {  	_ =	sfence  }
0x2f: {  	s30 =	sld [smem:$0x0];
	_ =	sdelay $0x2  }
0x30: {  	s31 =	sshll.u32 s1, $0xD;
	s1 =	sshrl.u32 s1, $0x2  }
0x31: {  	s3 =	sand.u32 $0x4000, s31;
	s1 =	sadd.s32 s1, s30  }
0x32: {  	s0 =	sor.u32 s3, s0;
	s1 =	sshll.u32 s1, $0x11  }
0x33: {  	s0 =	sor.u32 s1, s0  }
0x34: {  	s0 =	sadd.s32 $0x8F2B, s0  }
0x35: {  	[sflag:s0] =	ssyncadd.remote.s32 $0x1  }
0x36: {  	_ =	sfence.sel $0xFFFF  }
0x37: {  	[dreg:$0x0] =	wrdreg $0xFFFFFFFF;
	(pc) =	sbr.abs _section_cstart, $3  }
0x38: {  	[dreg:$0x1] =	wrdreg $0xFFFFFFFF  }
0x39: {  	_ =	task.clear_ibuf [dreg:s7], $0x2FFFF;
	_ =	strace $0x9FFFFFFF  }
0x3a: {  	(tm) =	ssettm $0x7FFFFFFF  }
0x3b: {  	_ =	shalt  }
tec
execute0_lowered:
.L_overlay_start_1:
0x0: {  	(tag) =	ssettag $0x1  }
0x1: {  	s0 =	srdreg.scid  }
0x2: {  	s1 =	sshll.u32 s0, $0x4  }
0x3: {  	s0 =	stileid.u32;
	s1 =	sand.u32 $0x10, s1  }
0x4: {  	s1 =	sor.u32 s0, s1  }
0x5: {  	s6 =	rddreg [dreg:$0x0];
	s4 =	simm.s32 $0x1;
	s2 =	sshll.u32 s1, $0x7  }
0x6: {  	s7 =	simm.s32 $0x2;
	s12 =	simm.s32 $0x0;
	s1 =	ssub.s32 $0x4000, s2  }
0x7: {  	s8 =	simm.s32 $0x20000;
	s13 =	simm.s32 $0x0;
	s3 =	sand.u32 $0xF80, s1  }
0x8: {  	s9 =	simm.s32 $0x0;
	s5 =	sshrl.u32 s1, $0xC;
	p0 =	sne.s32 s3, $0x0  }
.Ltmp0:
0x9: {  	s1 =	rddreg [dreg:$0x2];
	s4 =	simm.s32 @!p0 $0x0;
	(pc) =	sbr.rel .LBB1_1-.Ltmp0, $4  }
0xa: {  	s11 =	simm.s32 $0x0;
	s3 =	rddreg [dreg:$0x1];
	s5 =	sadd.s32 s4, s5  }
0xb: {  	_ =	strace $0x8000004A;
	s4 =	simm.s32 $0x1;
	s5 =	smul.u32 $0xC8, s5  }
0xc: {  	s6 =	sadd.s32 $0xA00, s6;
	s10 =	smov.u32 s2;
	[sflag:s4] =	ssyncpa.u1 $0x0  }
0xd: {  	p0 =	por $0x0, $0x0;
	[sflag:s7] =	ssyncpa.u1 $0x0;
	s7 =	sor.u32 $0x1, s5  }
.LBB1_4:
0xe: {  	s16 =	sshll.u32 s13, $0x3;
	s17 =	sand.u32 $0x78, s13  }
0xf: {  	s30 =	sand.u32 $0x1F800, s13;
	s12 =	sshll.u32 s12, $0x11;
	s16 =	sand.u32 $0x3C00, s16  }
0x10: {  	[tilespmem:s15+$0x810 ss:$0x81] =	vst.msk $0xffff, v2;
	s31 =	sand.u32 $0x7, s13;
	s16 =	sor.u32 s17, s16;
	s17 =	sadd.s32 s3, s30  }
0x11: {  	[tilespmem:s15+$0x1020 ss:$0x81] =	vst.msk $0xffff, v0;
	s13 =	sshll.u32 s31, $0x12;
	s12 =	sadd.s32 s12, s17;
	s16 =	sshrl.u32 s16, $0x3  }
0x12: {  	[tilespmem:s15+$0x0 ss:$0x81] =	vst.msk $0xffff, v1;
	s13 =	sor.u32 $0x400, s13;
	s12 =	sadd.s32 s16, s12  }
0x13: {  	[hbm4b:s12+s13] =	stream.strided.scatter [tilespmem:s14], [sflag:$0x2], $0x2000, s8, s13, $0x20;
	[tilespmem:$0x8080] =	vst v63  }
.LBB1_5:
0x14: {  	s14 =	sadd.s32 $0x1, s9  }
0x15: {  	s12 =	sadd.s32 $0x1000, s10;
	s16 =	smov.u32 s10;
	p2 =	sgt.s32 s14, $0xC7  }
0x16: {  	s16 =	smov.u32 @p2 s12  }
0x17: {  	s14 =	simm.s32 @p2 $0x0;
	p2 =	sgt.s32 s16, $0x3FFF  }
0x18: {  	s16 =	smov.u32 @p2 s2;
	p2 =	sne.s32 s11, s7  }
.Ltmp1:
0x19: {  	p1 =	slt.u32 s11, $0x2;
	(pc) =	sbr.rel @!p2 .LBB1_6-.Ltmp1, $4  }
0x1a: {  	s15 =	simm.s32 @!p1 $0x2  }
0x1b: {  	s13 =	smov.u32 s10;
	p0 =	por !p0, !p0;
	_ =	swait.ge @!p1 [sflag:s15], $0x2000  }
0x1c: {  	s12 =	smov.u32 s9;
	[sflag:s15] =	ssyncset.done @!p1 $0x0;
	s9 =	smov.u32 s14  }
0x1d: {  	s11 =	sadd.s32 $0x1, s11;
	[sflag:s15] =	ssyncadd.s32 @!p1 $0xFFFFE000;
	s10 =	smov.u32 s16  }
.LBB1_1:
0x1e: {  	p1 =	sge.u32 s11, s5  }
0x1f: {  	s14 =	sand.u32 @!p1 $0x1FFFFFF, s9  }
0x20: {  	s15 =	smulhi.u32 @!p1 $0x147AE15, s14;
	_ =	sdelay $0x1  }
0x21: {  	s15 =	smul.u32 @!p1 $0xC8, s15  }
0x22: {  	s16 =	sxor.u32 @!p1 $0xFFFFFFFF, s11;
	s17 =	smul.u32 @!p1 $0xC80, s10  }
0x23: {  	s31 =	sadd.s32 $0xFFFFFFFF, s11;
	s16 =	sshll.u32 @!p1 s16, $0xD;
	s14 =	ssub.s32 @!p1 s14, s15  }
0x24: {  	s15 =	sand.u32 @!p1 $0x2000, s16;
	s16 =	sadd.s32 @!p1 s6, s17;
	s14 =	sshll.u32 @!p1 s14, $0x4  }
0x25: {  	s17 =	simm.s32 @!p1 $0x6400;
	s14 =	sadd.s32 @!p1 s14, s16;
	s16 =	simm.s32 @!p1 $0x40  }
0x26: {  	[tilespmem:s15], [sflag:$0x1] =	stream.strided.gather @!p1 [hbm4b:s14+s16], $0x2000, s17, s16, $0x38;
	[tilespmem:$0x8080] =	vst v63  }
0x27: {  	p1 =	sge.u32 s31, s5  }
.Ltmp2:
0x28: {  	_ = 	snop;
	(pc) =	sbr.rel @p1 .LBB1_5-.Ltmp2, $1  }
0x29: {  	_ =	sdelay $0x3  }
0x2a: {  	s14 =	simm.s32 $0x1  }
0x2b: {  	_ =	swait.ge [sflag:s4], $0x2000;
	s14 =	simm.s32 @!p0 $0x0  }
0x2c: {  	[sflag:s4] =	ssyncset.done $0x0;
	s15 =	sshll.u32 s14, $0xD  }
0x2d: {  	[sflag:s4] =	ssyncadd.s32 $0xFFFFE000;
	s18 =	sor.u32 $0x20, s15  }
0x2e: {  	s14 =	smul.u32 $0x8100, s14;
	v3 =	vld [tilespmem:s18+$0x10]  }
0x2f: {  	s30 =	sand.u32 $0x1, s11;
	v2 =	vld [tilespmem:s18+$0xFFFFFFF0]  }
0x30: {  	s15 =	smul.u32 $0x8100, s30;
	s14 =	sshrl.u32 s14, $0x2;
	v0 =	vld [tilespmem:s18+$0x0]  }
0x31: {  	v1 =	vld [tilespmem:s18+$0xFFFFFFE0];
	s16 =	sor.u32 $0x4000, s14  }
0x32: {  	s31 =	sshrl.u32 s15, $0x2;
	s15 =	sadd.s32 $0x0, s16  }
0x33: {  	s17 =	simm.s32 $0x4;
	s18 =	sadd.s32 $0x40, s18;
	s14 =	sor.u32 $0x4000, s31;
	[tilespmem:s15+$0x1830 ss:$0x81] =	vst.msk $0xffff, v3  }
.LBB1_3:
0x34: {  	v3 =	vld [tilespmem:s18+$0x10];
	p1 =	sne.s32 s17, $0x1FC;
	[tilespmem:s15+$0x810 ss:$0x81] =	vst.msk $0xffff, v2;
	s19 =	smov.u32 s17;
	s17 =	sadd.s32 $0x4, s17  }
.Ltmp3:
0x35: {  	v2 =	vld [tilespmem:s18+$0xFFFFFFF0];
	[tilespmem:s15+$0x1020 ss:$0x81] =	vst.msk $0xffff, v0;
	(pc) =	sbr.rel @p1 .LBB1_3-.Ltmp3, $4  }
0x36: {  	v0 =	vld [tilespmem:s18+$0x0];
	[tilespmem:s15+$0x0 ss:$0x81] =	vst.msk $0xffff, v1  }
0x37: {  	s15 =	sshra.s32 s19, $0x2;
	v1 =	vld [tilespmem:s18+$0xFFFFFFE0]  }
0x38: {  	s15 =	sadd.s32 s15, s16  }
0x39: {  	s18 =	sadd.s32 $0x40, s18;
	[tilespmem:s15+$0x1830 ss:$0x81] =	vst.msk $0xffff, v3  }
.Ltmp4:
0x3a: {  	_ = 	snop;
	(pc) =	sbr.rel .LBB1_4-.Ltmp4, $1  }
0x3b: {  	_ =	sdelay $0x3  }
.LBB1_6:
0x3c: {  	_ =	sfence.sel $0x180000  }
0x3d: {  	s2 =	simm.s32 $0x1;
	[bflag:$0x0] =	sbarrier.arrive $0xFFFF  }
0x3e: {  	s31 =	simm.s32 $0x2;
	[sflag:s2] =	ssyncpa.u1 $0x1  }
0x3f: {  	[sflag:s31] =	ssyncpa.u1 $0x1  }
0x40: {  	p0 =	sne.s32 s0, $0x0;
	_ =	strace $0x9000004A  }
0x41: {  	s0 =	sadd.s32 @!p0 $0x100000, s1;
	[bflag:$0x2] =	sbarrier.arrive $0xFFFF  }
0x42: {  	[sflag:s0] =	ssyncadd.tile.s32 @!p0 $0x1;
	_ =	shalt  }
.Lfunc_end1:
_tile_overlayer_lowered:
.L_overlay_start_2:
0x43: {  	(tag) =	ssettag $0x2  }
0x44: {  	s0 =	rddreg [dreg:$0x0];
	s2 =	stileid.u32  }
0x45: {  	s1 =	rddreg [dreg:$0x1];
	p0 =	sne.s32 s2, $0x0  }
0x46: {  	s3 =	rddreg [dreg:$0x2];
	[bflag:$0x3] =	sbarrier.arrive $0xFFFF;
	s2 =	simm.s32 @!p0 $0x1C01  }
0x47: {  	[timem:s3], [sflag:s2] =	dma.local @!p0 [hbm:s0], s1  }
0x48: {  	s0 =	simm.s32 @!p0 $0x1  }
0x49: {  	_ =	swait.ge @!p0 [sflag:s0], s1  }
0x4a: {  	s1 =	ssub.s32 @!p0 $0x0, s1;
	[sflag:s0] =	ssyncset.done @!p0 $0x0  }
0x4b: {  	[sflag:s0] =	ssyncadd.s32 @!p0 s1  }
0x4c: {  	[bflag:$0x3] =	sbarrier.arrive $0xFFFF  }
0x4d: {  	_ =	shalt  }

</sc_bundles>
